<compile_context>
chip_gen: v7x
topology: tpu7x:2x2x1
jax: 0.10.2.dev20260603
libtpu: 0.0.44.dev20260713+nightly
codegen_flags: <defaults>
</compile_context>

<pallas_src>
import functools

import jax
import jax.numpy as jnp
from jax import lax
from jax.experimental import pallas as pl
from jax.experimental.pallas import tpu as pltpu
from jax.experimental.pallas import tpu_sc as plsc

_N = 10000
_D = 128
_E = 320000
_C = 128
_K = 80
_KB = 8
_W = 32
_EPAD = _W * _K * _C
_NP = 10112
_RPT = _NP // 16
_HQ = 80
_EB = 4096
_R = 1000
_G = _N // _R

_mesh = plsc.VectorSubcoreMesh(core_axis_name="c", subcore_axis_name="s")


@functools.partial(
    pl.kernel,
    mesh=_mesh,
    out_type=jax.ShapeDtypeStruct((2, _NP, _D), jnp.float32),
    scratch_types=[
        pltpu.VMEM((_KB, _C), jnp.int32),
        pltpu.VMEM((_KB, _C), jnp.int32),
        pltpu.VMEM((_C, _D), jnp.float32),
        pltpu.VMEM((_C, _D), jnp.float32),
        pltpu.VMEM_SHARED((_NP, _D), jnp.float32),
        pltpu.SemaphoreType.DMA,
        pltpu.SemaphoreType.DMA,
        pltpu.SemaphoreType.DMA,
        pltpu.SemaphoreType.DMA,
    ],
)
def _seg(A, srcr, dstr, z128, P, src_v, dst_v, buf0, buf1, acc,
         sg0, sg1, ss0, ss1):
    c = lax.axis_index("c")
    s = lax.axis_index("s")
    wid = c * 16 + s
    base = s * _RPT
    pltpu.sync_copy(z128.at[pl.ds(base, _RPT)], acc.at[pl.ds(base, _RPT)])
    plsc.subcore_barrier()
    bufs = (buf0, buf1)
    sgs = (sg0, sg1)
    sss = (ss0, ss1)

    def step(j, carry):
        pltpu.sync_copy(srcr.at[wid, pl.ds(j * _KB, _KB)], src_v)
        pltpu.sync_copy(dstr.at[wid, pl.ds(j * _KB, _KB)], dst_v)
        hg = [None] * _KB
        hs = [None] * _KB
        hg[0] = pltpu.async_copy(A.at[src_v.at[0]], bufs[0], sgs[0])
        for i in range(_KB):
            if i + 1 < _KB:
                if i >= 1:
                    hs[i - 1].wait()
                hg[i + 1] = pltpu.async_copy(
                    A.at[src_v.at[i + 1]], bufs[(i + 1) % 2], sgs[(i + 1) % 2])
            hg[i].wait()
            hs[i] = pltpu.async_copy(
                bufs[i % 2], acc.at[dst_v.at[i]], sss[i % 2], add=True)
        hs[_KB - 2].wait()
        hs[_KB - 1].wait()
        return carry

    lax.fori_loop(0, _K // _KB, step, 0)
    plsc.subcore_barrier()
    pltpu.sync_copy(acc.at[pl.ds(base, _RPT)], P.at[c, pl.ds(base, _RPT)])


def _hist_body(dr_ref, dc_ref, o_ref):
    i = pl.program_id(0)

    @pl.when(i == 0)
    def _():
        o_ref[...] = jnp.zeros_like(o_ref)

    qf = lax.shift_right_logical(dr_ref[0], 7)
    rf = lax.bitwise_and(dc_ref[0], 127)
    qi = lax.broadcasted_iota(jnp.int32, (_HQ, _EB), 0)
    ri = lax.broadcasted_iota(jnp.int32, (_EB, _D), 1)
    qh = (qf == qi).astype(jnp.bfloat16)
    rh = (rf == ri).astype(jnp.bfloat16)
    o_ref[...] += lax.dot_general(qh, rh, (((1,), (0,)), ((), ())),
                                  preferred_element_type=jnp.float32)


def _deghist(dstr_row, dstr_col):
    return pl.pallas_call(
        _hist_body,
        grid=(_EPAD // _EB,),
        in_specs=[
            pl.BlockSpec((1, 1, _EB), lambda i: (i, 0, 0)),
            pl.BlockSpec((1, _EB, 1), lambda i: (i, 0, 0)),
        ],
        out_specs=pl.BlockSpec((_HQ, _D), lambda i: (0, 0)),
        out_shape=jax.ShapeDtypeStruct((_HQ, _D), jnp.float32),
    )(dstr_row, dstr_col)


def _mm_body(x_ref, w_ref, o_ref):
    o_ref[...] = jnp.dot(x_ref[...], w_ref[...],
                         preferred_element_type=jnp.float32)


def _mm(x, w):
    return pl.pallas_call(
        _mm_body,
        grid=(_G,),
        in_specs=[
            pl.BlockSpec((_R, _D), lambda i: (i, 0)),
            pl.BlockSpec((_D, _D), lambda i: (0, 0)),
        ],
        out_specs=pl.BlockSpec((_R, _D), lambda i: (i, 0)),
        out_shape=jax.ShapeDtypeStruct((_N, _D), jnp.float32),
    )(x, w)


def _tc1_body(P_ref, d_ref, x_ref, wr_ref, b_ref, wl1_ref, h_ref, a1_ref):
    S = P_ref[0] + P_ref[1]
    dinv = 1.0 / jnp.maximum(d_ref[...], 1.0)
    xr = jnp.dot(x_ref[...], wr_ref[...], preferred_element_type=jnp.float32)
    h = jnp.maximum(S * dinv + xr + b_ref[...], 0.0)
    h_ref[...] = h
    a1_ref[...] = jnp.dot(h, wl1_ref[...], preferred_element_type=jnp.float32)


def _tc1(P, degc, x, W_r0, b0, W_l1):
    return pl.pallas_call(
        _tc1_body,
        grid=(_G,),
        in_specs=[
            pl.BlockSpec((2, _R, _D), lambda i: (0, i, 0)),
            pl.BlockSpec((_R, 1), lambda i: (i, 0)),
            pl.BlockSpec((_R, _D), lambda i: (i, 0)),
            pl.BlockSpec((_D, _D), lambda i: (0, 0)),
            pl.BlockSpec((1, _D), lambda i: (0, 0)),
            pl.BlockSpec((_D, _D), lambda i: (0, 0)),
        ],
        out_specs=[
            pl.BlockSpec((_R, _D), lambda i: (i, 0)),
            pl.BlockSpec((_R, _D), lambda i: (i, 0)),
        ],
        out_shape=[
            jax.ShapeDtypeStruct((_N, _D), jnp.float32),
            jax.ShapeDtypeStruct((_N, _D), jnp.float32),
        ],
    )(P, degc, x, W_r0, b0.reshape(1, _D), W_l1)


def _tc2_body(Q_ref, d_ref, h_ref, wr_ref, b_ref, o_ref):
    S = Q_ref[0] + Q_ref[1]
    dinv = 1.0 / jnp.maximum(d_ref[...], 1.0)
    hr = jnp.dot(h_ref[...], wr_ref[...], preferred_element_type=jnp.float32)
    o_ref[...] = S * dinv + hr + b_ref[...]


def _tc2(Q, degc, h, W_r1, b1):
    return pl.pallas_call(
        _tc2_body,
        grid=(_G,),
        in_specs=[
            pl.BlockSpec((2, _R, _D), lambda i: (0, i, 0)),
            pl.BlockSpec((_R, 1), lambda i: (i, 0)),
            pl.BlockSpec((_R, _D), lambda i: (i, 0)),
            pl.BlockSpec((_D, _D), lambda i: (0, 0)),
            pl.BlockSpec((1, _D), lambda i: (0, 0)),
        ],
        out_specs=pl.BlockSpec((_R, _D), lambda i: (i, 0)),
        out_shape=jax.ShapeDtypeStruct((_N, _D), jnp.float32),
    )(Q, degc, h, W_r1, b1.reshape(1, _D))


def kernel(x, edge_index, W_l0, W_r0, b0, W_l1, W_r1, b1):
    src = edge_index[0]
    dst = edge_index[1]
    pad = _EPAD - _E
    srcr = jnp.concatenate([src, jnp.zeros((pad,), jnp.int32)]).reshape(_W, _K, _C)
    dstr = jnp.concatenate([dst, jnp.full((pad,), _N, jnp.int32)]).reshape(_W, _K, _C)
    z128 = jnp.zeros((_NP, _D), jnp.float32)

    A0 = _mm(x, W_l0)
    hist = _deghist(dstr.reshape(_EPAD // _EB, 1, _EB),
                    dstr.reshape(_EPAD // _EB, _EB, 1))
    P = _seg(A0, srcr, dstr, z128)
    degc = hist.reshape(-1)[:_N].reshape(_N, 1)
    h, A1 = _tc1(P, degc, x, W_r0, b0, W_l1)
    Q = _seg(A1, srcr, dstr, z128)
    return _tc2(Q, degc, h, W_r1, b1)

# --- scband reference (transcript-rebuilt; emitter-appended) ---
"""Pipeline reference for scband-sage-22935125360937 (READ-ONLY COPY).

The authoritative reference and input builder live on the scoring server;
editing this copy changes nothing except your own understanding.
"""

import jax, jax.numpy as jnp
import numpy as np

N = 10000
E = 320000
D_IN = 128
D_HID = 128
D_OUT = 128


def setup_inputs(seed: int = 0) -> dict:
    key = jax.random.key(seed)
    ks = jax.random.split(key, 8)
    x = jax.random.normal(ks[0], (N, D_IN), dtype=jnp.float32)
    edge_index = jax.random.randint(ks[1], (2, E), 0, N, dtype=jnp.int32)
    s0 = 1.0 / np.sqrt(D_IN)
    s1 = 1.0 / np.sqrt(D_HID)
    W_l0 = jax.random.uniform(ks[2], (D_IN, D_HID), jnp.float32, -s0, s0)
    W_r0 = jax.random.uniform(ks[3], (D_IN, D_HID), jnp.float32, -s0, s0)
    b0 = jax.random.uniform(ks[4], (D_HID,), jnp.float32, -s0, s0)
    W_l1 = jax.random.uniform(ks[5], (D_HID, D_OUT), jnp.float32, -s1, s1)
    W_r1 = jax.random.uniform(ks[6], (D_HID, D_OUT), jnp.float32, -s1, s1)
    b1 = jax.random.uniform(ks[7], (D_OUT,), jnp.float32, -s1, s1)
    return {"x": x, "edge_index": edge_index, "W_l0": W_l0, "W_r0": W_r0, "b0": b0, "W_l1": W_l1, "W_r1": W_r1, "b1": b1}


def _sage_conv(x, edge_index, W_l, W_r, b):
    # PyG SAGEConv with mean aggregation: out = mean_agg(x_src -> dst) @ W_l + x @ W_r + b
    src = edge_index[0]
    dst = edge_index[1]
    msg = jnp.take(x, src, axis=0)
    agg = jax.ops.segment_sum(msg, dst, num_segments=N)
    deg = jax.ops.segment_sum(jnp.ones((msg.shape[0],), dtype=x.dtype), dst, num_segments=N)
    agg = agg / jnp.clip(deg, 1.0)[:, None]
    return agg @ W_l + x @ W_r + b


def reference(x, edge_index, W_l0, W_r0, b0, W_l1, W_r1, b1):
    h = _sage_conv(x, edge_index, W_l0, W_r0, b0)
    h = jax.nn.relu(h)
    # dropout is identity in inference mode
    out = _sage_conv(h, edge_index, W_l1, W_r1, b1)
    return out

if __name__ == "__main__":
    import jax
    _d = setup_inputs()
    print(jax.jit(kernel)(*tuple(_d.values())))

</pallas_src>

<mosaic_0001>
#map = affine_map<(d0, d1) -> (0, 0)>
#map1 = affine_map<(d0, d1) -> (0, 0, 0)>
module attributes {stable_mosaic.version = 14 : i64} {
  func.func @_seg(%arg0: i32, %arg1: i32, %arg2: memref<10000x128xf32, #tpu.memory_space<hbm>>, %arg3: memref<32x80x128xi32, #tpu.memory_space<hbm>>, %arg4: memref<32x80x128xi32, #tpu.memory_space<hbm>>, %arg5: memref<10112x128xf32, #tpu.memory_space<hbm>>, %arg6: memref<2x10112x128xf32, #tpu.memory_space<hbm>>, %arg7: memref<8x128xi32, #tpu.memory_space<vmem>>, %arg8: memref<8x128xi32, #tpu.memory_space<vmem>>, %arg9: memref<128x128xf32, #tpu.memory_space<vmem>>, %arg10: memref<128x128xf32, #tpu.memory_space<vmem>>, %arg11: memref<10112x128xf32, #tpu.memory_space<vmem_shared>>, %arg12: memref<!tpu.dma_semaphore, #tpu.memory_space<semaphore_mem>>, %arg13: memref<!tpu.dma_semaphore, #tpu.memory_space<semaphore_mem>>, %arg14: memref<!tpu.dma_semaphore, #tpu.memory_space<semaphore_mem>>, %arg15: memref<!tpu.dma_semaphore, #tpu.memory_space<semaphore_mem>>) attributes {dimension_semantics = [#tpu.dimension_semantics<core_parallel>, #tpu.dimension_semantics<subcore_parallel>], iteration_bounds = array<i64: 2, 16>, scalar_prefetch = 0 : i64, scratch_operands = 9 : i64, tpu.core_type = #tpu.core_type<sc_vector_subcore>, window_params = [{transform_indices = #map}, {transform_indices = #map1}, {transform_indices = #map1}, {transform_indices = #map}, {transform_indices = #map1}]} {
    %mul3A = arith.constant 16 : i32
    %mul3A_0 = arith.muli %arg0, %mul3A : i32
    %add3A = arith.addi %mul3A_0, %arg1 : i32
    %mul3A_1 = arith.constant 632 : i32
    %mul3A_2 = arith.muli %arg1, %mul3A_1 : i32
    "tpu.region"() ({
      %run_scoped3A = tpu.sem_alloc : memref<!tpu.dma_semaphore, #tpu.memory_space<semaphore_mem>>
      %dma_start3A = arith.constant 0 : i32
      %dma_start3A_9 = tpu.memref_slice %arg11[%mul3A_2, %dma_start3A] : memref<10112x128xf32, #tpu.memory_space<vmem_shared>> -> memref<632x128xf32, #tpu.memory_space<vmem_shared>>
      %dma_start3A_10 = arith.constant 0 : i32
      %dma_start3A_11 = tpu.memref_slice %arg5[%mul3A_2, %dma_start3A_10] : memref<10112x128xf32, #tpu.memory_space<hbm>> -> memref<632x128xf32, #tpu.memory_space<hbm>>
      tpu.enqueue_dma source(%dma_start3A_11 : memref<632x128xf32, #tpu.memory_space<hbm>>) target(%dma_start3A_9 : memref<632x128xf32, #tpu.memory_space<vmem_shared>>) target_semaphore(%run_scoped3A : memref<!tpu.dma_semaphore, #tpu.memory_space<semaphore_mem>>)
      %dma_wait3A = arith.constant 0 : i32
      %dma_wait3A_12 = tpu.memref_slice %arg11[%mul3A_2, %dma_wait3A] : memref<10112x128xf32, #tpu.memory_space<vmem_shared>> -> memref<632x128xf32, #tpu.memory_space<vmem_shared>>
      %dma_wait3A_13 = arith.constant 0 : i32
      %dma_wait3A_14 = tpu.memref_slice %arg5[%mul3A_2, %dma_wait3A_13] : memref<10112x128xf32, #tpu.memory_space<hbm>> -> memref<632x128xf32, #tpu.memory_space<hbm>>
      tpu.wait_dma2 semaphore(%run_scoped3A : memref<!tpu.dma_semaphore, #tpu.memory_space<semaphore_mem>>) src(%dma_wait3A_14 : memref<632x128xf32, #tpu.memory_space<hbm>>) dst(%dma_wait3A_12 : memref<632x128xf32, #tpu.memory_space<vmem_shared>>)
      tpu.yield
    }) : () -> ()
    %barrier3A = arith.constant 0 : index
    tpu.barrier barrier_id(%barrier3A)
    %scan3A = arith.constant 0 : i32
    %scan3A_3 = arith.constant 0 : i32
    %scan3A_4 = arith.constant 10 : i32
    %scan3A_5 = arith.addi %scan3A_3, %scan3A_4 : i32
    %scan3A_6 = arith.constant 1 : i32
    scf.for %scan3A_9 = %scan3A_3 to %scan3A_5 step %scan3A_6  : i32 {
      %mul3A_10 = arith.constant 8 : i32
      %mul3A_11 = arith.muli %scan3A_9, %mul3A_10 : i32
      "tpu.region"() ({
        %run_scoped3A = tpu.sem_alloc : memref<!tpu.dma_semaphore, #tpu.memory_space<semaphore_mem>>
        %dma_start3A_236 = arith.constant 0 : i32
        %dma_start3A_237 = tpu.memref_slice %arg3[%add3A, %mul3A_11, %dma_start3A_236] : memref<32x80x128xi32, #tpu.memory_space<hbm>> -> memref<1x8x128xi32, #tpu.memory_space<hbm>>
        %dma_start3A_238 = tpu.memref_squeeze %dma_start3A_237 : memref<1x8x128xi32, #tpu.memory_space<hbm>> -> memref<8x128xi32, #tpu.memory_space<hbm>>
        %dma_start3A_239 = arith.constant 0 : i32
        %dma_start3A_240 = tpu.memref_slice %arg3[%add3A, %mul3A_11, %dma_start3A_239] : memref<32x80x128xi32, #tpu.memory_space<hbm>> -> memref<1x8x128xi32, #tpu.memory_space<hbm>>
        %dma_start3A_241 = tpu.memref_squeeze %dma_start3A_240 : memref<1x8x128xi32, #tpu.memory_space<hbm>> -> memref<8x128xi32, #tpu.memory_space<hbm>>
        tpu.enqueue_dma source(%dma_start3A_241 : memref<8x128xi32, #tpu.memory_space<hbm>>) target(%arg7 : memref<8x128xi32, #tpu.memory_space<vmem>>) target_semaphore(%run_scoped3A : memref<!tpu.dma_semaphore, #tpu.memory_space<semaphore_mem>>)
        %dma_wait3A_242 = arith.constant 0 : i32
        %dma_wait3A_243 = tpu.memref_slice %arg3[%add3A, %mul3A_11, %dma_wait3A_242] : memref<32x80x128xi32, #tpu.memory_space<hbm>> -> memref<1x8x128xi32, #tpu.memory_space<hbm>>
        %dma_wait3A_244 = tpu.memref_squeeze %dma_wait3A_243 : memref<1x8x128xi32, #tpu.memory_space<hbm>> -> memref<8x128xi32, #tpu.memory_space<hbm>>
        %dma_wait3A_245 = arith.constant 0 : i32
        %dma_wait3A_246 = tpu.memref_slice %arg3[%add3A, %mul3A_11, %dma_wait3A_245] : memref<32x80x128xi32, #tpu.memory_space<hbm>> -> memref<1x8x128xi32, #tpu.memory_space<hbm>>
        %dma_wait3A_247 = tpu.memref_squeeze %dma_wait3A_246 : memref<1x8x128xi32, #tpu.memory_space<hbm>> -> memref<8x128xi32, #tpu.memory_space<hbm>>
        tpu.wait_dma2 semaphore(%run_scoped3A : memref<!tpu.dma_semaphore, #tpu.memory_space<semaphore_mem>>) src(%dma_wait3A_247 : memref<8x128xi32, #tpu.memory_space<hbm>>) dst(%arg7 : memref<8x128xi32, #tpu.memory_space<vmem>>)
        tpu.yield
      }) : () -> ()
      %mul3A_12 = arith.constant 8 : i32
      %mul3A_13 = arith.muli %scan3A_9, %mul3A_12 : i32
      "tpu.region"() ({
        %run_scoped3A = tpu.sem_alloc : memref<!tpu.dma_semaphore, #tpu.memory_space<semaphore_mem>>
        %dma_start3A_236 = arith.constant 0 : i32
        %dma_start3A_237 = tpu.memref_slice %arg4[%add3A, %mul3A_13, %dma_start3A_236] : memref<32x80x128xi32, #tpu.memory_space<hbm>> -> memref<1x8x128xi32, #tpu.memory_space<hbm>>
        %dma_start3A_238 = tpu.memref_squeeze %dma_start3A_237 : memref<1x8x128xi32, #tpu.memory_space<hbm>> -> memref<8x128xi32, #tpu.memory_space<hbm>>
        %dma_start3A_239 = arith.constant 0 : i32
        %dma_start3A_240 = tpu.memref_slice %arg4[%add3A, %mul3A_13, %dma_start3A_239] : memref<32x80x128xi32, #tpu.memory_space<hbm>> -> memref<1x8x128xi32, #tpu.memory_space<hbm>>
        %dma_start3A_241 = tpu.memref_squeeze %dma_start3A_240 : memref<1x8x128xi32, #tpu.memory_space<hbm>> -> memref<8x128xi32, #tpu.memory_space<hbm>>
        tpu.enqueue_dma source(%dma_start3A_241 : memref<8x128xi32, #tpu.memory_space<hbm>>) target(%arg8 : memref<8x128xi32, #tpu.memory_space<vmem>>) target_semaphore(%run_scoped3A : memref<!tpu.dma_semaphore, #tpu.memory_space<semaphore_mem>>)
        %dma_wait3A_242 = arith.constant 0 : i32
        %dma_wait3A_243 = tpu.memref_slice %arg4[%add3A, %mul3A_13, %dma_wait3A_242] : memref<32x80x128xi32, #tpu.memory_space<hbm>> -> memref<1x8x128xi32, #tpu.memory_space<hbm>>
        %dma_wait3A_244 = tpu.memref_squeeze %dma_wait3A_243 : memref<1x8x128xi32, #tpu.memory_space<hbm>> -> memref<8x128xi32, #tpu.memory_space<hbm>>
        %dma_wait3A_245 = arith.constant 0 : i32
        %dma_wait3A_246 = tpu.memref_slice %arg4[%add3A, %mul3A_13, %dma_wait3A_245] : memref<32x80x128xi32, #tpu.memory_space<hbm>> -> memref<1x8x128xi32, #tpu.memory_space<hbm>>
        %dma_wait3A_247 = tpu.memref_squeeze %dma_wait3A_246 : memref<1x8x128xi32, #tpu.memory_space<hbm>> -> memref<8x128xi32, #tpu.memory_space<hbm>>
        tpu.wait_dma2 semaphore(%run_scoped3A : memref<!tpu.dma_semaphore, #tpu.memory_space<semaphore_mem>>) src(%dma_wait3A_247 : memref<8x128xi32, #tpu.memory_space<hbm>>) dst(%arg8 : memref<8x128xi32, #tpu.memory_space<vmem>>)
        tpu.yield
      }) : () -> ()
      %dma_start3A = arith.constant 0 : i32
      %dma_start3A_14 = arith.constant 0 : i32
      %dma_start3A_15 = tpu.memref_slice %arg7[%dma_start3A, %dma_start3A_14] : memref<8x128xi32, #tpu.memory_space<vmem>> -> memref<1x128xi32, #tpu.memory_space<vmem>>
      %dma_start3A_16 = tpu.memref_squeeze %dma_start3A_15 : memref<1x128xi32, #tpu.memory_space<vmem>> -> memref<128xi32, #tpu.memory_space<vmem>>
      %dma_start3A_17 = arith.constant 0 : i32
      %dma_start3A_18 = arith.constant 0 : i32
      %dma_start3A_19 = tpu.memref_slice %arg2[%dma_start3A_17, %dma_start3A_18] : memref<10000x128xf32, #tpu.memory_space<hbm>> -> memref<10000x128xf32, #tpu.memory_space<hbm>>
      tpu.enqueue_indirect_dma source(%dma_start3A_19 : memref<10000x128xf32, #tpu.memory_space<hbm>>) target(%arg9 : memref<128x128xf32, #tpu.memory_space<vmem>>) offsets(%dma_start3A_16 : memref<128xi32, #tpu.memory_space<vmem>>) semaphore(%arg12 : memref<!tpu.dma_semaphore, #tpu.memory_space<semaphore_mem>>)
      %dma_start3A_20 = arith.constant 1 : i32
      %dma_start3A_21 = arith.constant 0 : i32
      %dma_start3A_22 = tpu.memref_slice %arg7[%dma_start3A_20, %dma_start3A_21] : memref<8x128xi32, #tpu.memory_space<vmem>> -> memref<1x128xi32, #tpu.memory_space<vmem>>
      %dma_start3A_23 = tpu.memref_squeeze %dma_start3A_22 : memref<1x128xi32, #tpu.memory_space<vmem>> -> memref<128xi32, #tpu.memory_space<vmem>>
      %dma_start3A_24 = arith.constant 0 : i32
      %dma_start3A_25 = arith.constant 0 : i32
      %dma_start3A_26 = tpu.memref_slice %arg2[%dma_start3A_24, %dma_start3A_25] : memref<10000x128xf32, #tpu.memory_space<hbm>> -> memref<10000x128xf32, #tpu.memory_space<hbm>>
      tpu.enqueue_indirect_dma source(%dma_start3A_26 : memref<10000x128xf32, #tpu.memory_space<hbm>>) target(%arg10 : memref<128x128xf32, #tpu.memory_space<vmem>>) offsets(%dma_start3A_23 : memref<128xi32, #tpu.memory_space<vmem>>) semaphore(%arg13 : memref<!tpu.dma_semaphore, #tpu.memory_space<semaphore_mem>>)
      %dma_wait3A = arith.constant 0 : i32
      %dma_wait3A_27 = arith.constant 0 : i32
      %dma_wait3A_28 = tpu.memref_slice %arg7[%dma_wait3A, %dma_wait3A_27] : memref<8x128xi32, #tpu.memory_space<vmem>> -> memref<1x128xi32, #tpu.memory_space<vmem>>
      %dma_wait3A_29 = tpu.memref_squeeze %dma_wait3A_28 : memref<1x128xi32, #tpu.memory_space<vmem>> -> memref<128xi32, #tpu.memory_space<vmem>>
      %dma_wait3A_30 = arith.constant 0 : i32
      %dma_wait3A_31 = arith.constant 0 : i32
      %dma_wait3A_32 = tpu.memref_slice %arg2[%dma_wait3A_30, %dma_wait3A_31] : memref<10000x128xf32, #tpu.memory_space<hbm>> -> memref<10000x128xf32, #tpu.memory_space<hbm>>
      tpu.wait_indirect_dma semaphore(%arg12 : memref<!tpu.dma_semaphore, #tpu.memory_space<semaphore_mem>>) src(%dma_wait3A_32 : memref<10000x128xf32, #tpu.memory_space<hbm>>) dst(%arg9 : memref<128x128xf32, #tpu.memory_space<vmem>>)
      %dma_start3A_33 = arith.constant 0 : i32
      %dma_start3A_34 = arith.constant 0 : i32
      %dma_start3A_35 = tpu.memref_slice %arg8[%dma_start3A_33, %dma_start3A_34] : memref<8x128xi32, #tpu.memory_space<vmem>> -> memref<1x128xi32, #tpu.memory_space<vmem>>
      %dma_start3A_36 = tpu.memref_squeeze %dma_start3A_35 : memref<1x128xi32, #tpu.memory_space<vmem>> -> memref<128xi32, #tpu.memory_space<vmem>>
      %dma_start3A_37 = arith.constant 0 : i32
      %dma_start3A_38 = arith.constant 0 : i32
      %dma_start3A_39 = tpu.memref_slice %arg11[%dma_start3A_37, %dma_start3A_38] : memref<10112x128xf32, #tpu.memory_space<vmem_shared>> -> memref<10112x128xf32, #tpu.memory_space<vmem_shared>>
      tpu.enqueue_indirect_dma source(%arg9 : memref<128x128xf32, #tpu.memory_space<vmem>>) target(%dma_start3A_39 : memref<10112x128xf32, #tpu.memory_space<vmem_shared>>) offsets(%dma_start3A_36 : memref<128xi32, #tpu.memory_space<vmem>>) semaphore(%arg14 : memref<!tpu.dma_semaphore, #tpu.memory_space<semaphore_mem>>) {add = true}
      %dma_wait3A_40 = arith.constant 0 : i32
      %dma_wait3A_41 = arith.constant 0 : i32
      %dma_wait3A_42 = tpu.memref_slice %arg8[%dma_wait3A_40, %dma_wait3A_41] : memref<8x128xi32, #tpu.memory_space<vmem>> -> memref<1x128xi32, #tpu.memory_space<vmem>>
      %dma_wait3A_43 = tpu.memref_squeeze %dma_wait3A_42 : memref<1x128xi32, #tpu.memory_space<vmem>> -> memref<128xi32, #tpu.memory_space<vmem>>
      %dma_wait3A_44 = arith.constant 0 : i32
      %dma_wait3A_45 = arith.constant 0 : i32
      %dma_wait3A_46 = tpu.memref_slice %arg11[%dma_wait3A_44, %dma_wait3A_45] : memref<10112x128xf32, #tpu.memory_space<vmem_shared>> -> memref<10112x128xf32, #tpu.memory_space<vmem_shared>>
      tpu.wait_indirect_dma semaphore(%arg14 : memref<!tpu.dma_semaphore, #tpu.memory_space<semaphore_mem>>) src(%arg9 : memref<128x128xf32, #tpu.memory_space<vmem>>) dst(%dma_wait3A_46 : memref<10112x128xf32, #tpu.memory_space<vmem_shared>>)
      %dma_start3A_47 = arith.constant 2 : i32
      %dma_start3A_48 = arith.constant 0 : i32
      %dma_start3A_49 = tpu.memref_slice %arg7[%dma_start3A_47, %dma_start3A_48] : memref<8x128xi32, #tpu.memory_space<vmem>> -> memref<1x128xi32, #tpu.memory_space<vmem>>
      %dma_start3A_50 = tpu.memref_squeeze %dma_start3A_49 : memref<1x128xi32, #tpu.memory_space<vmem>> -> memref<128xi32, #tpu.memory_space<vmem>>
      %dma_start3A_51 = arith.constant 0 : i32
      %dma_start3A_52 = arith.constant 0 : i32
      %dma_start3A_53 = tpu.memref_slice %arg2[%dma_start3A_51, %dma_start3A_52] : memref<10000x128xf32, #tpu.memory_space<hbm>> -> memref<10000x128xf32, #tpu.memory_space<hbm>>
      tpu.enqueue_indirect_dma source(%dma_start3A_53 : memref<10000x128xf32, #tpu.memory_space<hbm>>) target(%arg9 : memref<128x128xf32, #tpu.memory_space<vmem>>) offsets(%dma_start3A_50 : memref<128xi32, #tpu.memory_space<vmem>>) semaphore(%arg12 : memref<!tpu.dma_semaphore, #tpu.memory_space<semaphore_mem>>)
      %dma_wait3A_54 = arith.constant 1 : i32
      %dma_wait3A_55 = arith.constant 0 : i32
      %dma_wait3A_56 = tpu.memref_slice %arg7[%dma_wait3A_54, %dma_wait3A_55] : memref<8x128xi32, #tpu.memory_space<vmem>> -> memref<1x128xi32, #tpu.memory_space<vmem>>
      %dma_wait3A_57 = tpu.memref_squeeze %dma_wait3A_56 : memref<1x128xi32, #tpu.memory_space<vmem>> -> memref<128xi32, #tpu.memory_space<vmem>>
      %dma_wait3A_58 = arith.constant 0 : i32
      %dma_wait3A_59 = arith.constant 0 : i32
      %dma_wait3A_60 = tpu.memref_slice %arg2[%dma_wait3A_58, %dma_wait3A_59] : memref<10000x128xf32, #tpu.memory_space<hbm>> -> memref<10000x128xf32, #tpu.memory_space<hbm>>
      tpu.wait_indirect_dma semaphore(%arg13 : memref<!tpu.dma_semaphore, #tpu.memory_space<semaphore_mem>>) src(%dma_wait3A_60 : memref<10000x128xf32, #tpu.memory_space<hbm>>) dst(%arg10 : memref<128x128xf32, #tpu.memory_space<vmem>>)
      %dma_start3A_61 = arith.constant 1 : i32
      %dma_start3A_62 = arith.constant 0 : i32
      %dma_start3A_63 = tpu.memref_slice %arg8[%dma_start3A_61, %dma_start3A_62] : memref<8x128xi32, #tpu.memory_space<vmem>> -> memref<1x128xi32, #tpu.memory_space<vmem>>
      %dma_start3A_64 = tpu.memref_squeeze %dma_start3A_63 : memref<1x128xi32, #tpu.memory_space<vmem>> -> memref<128xi32, #tpu.memory_space<vmem>>
      %dma_start3A_65 = arith.constant 0 : i32
      %dma_start3A_66 = arith.constant 0 : i32
      %dma_start3A_67 = tpu.memref_slice %arg11[%dma_start3A_65, %dma_start3A_66] : memref<10112x128xf32, #tpu.memory_space<vmem_shared>> -> memref<10112x128xf32, #tpu.memory_space<vmem_shared>>
      tpu.enqueue_indirect_dma source(%arg10 : memref<128x128xf32, #tpu.memory_space<vmem>>) target(%dma_start3A_67 : memref<10112x128xf32, #tpu.memory_space<vmem_shared>>) offsets(%dma_start3A_64 : memref<128xi32, #tpu.memory_space<vmem>>) semaphore(%arg15 : memref<!tpu.dma_semaphore, #tpu.memory_space<semaphore_mem>>) {add = true}
      %dma_wait3A_68 = arith.constant 1 : i32
      %dma_wait3A_69 = arith.constant 0 : i32
      %dma_wait3A_70 = tpu.memref_slice %arg8[%dma_wait3A_68, %dma_wait3A_69] : memref<8x128xi32, #tpu.memory_space<vmem>> -> memref<1x128xi32, #tpu.memory_space<vmem>>
      %dma_wait3A_71 = tpu.memref_squeeze %dma_wait3A_70 : memref<1x128xi32, #tpu.memory_space<vmem>> -> memref<128xi32, #tpu.memory_space<vmem>>
      %dma_wait3A_72 = arith.constant 0 : i32
      %dma_wait3A_73 = arith.constant 0 : i32
      %dma_wait3A_74 = tpu.memref_slice %arg11[%dma_wait3A_72, %dma_wait3A_73] : memref<10112x128xf32, #tpu.memory_space<vmem_shared>> -> memref<10112x128xf32, #tpu.memory_space<vmem_shared>>
      tpu.wait_indirect_dma semaphore(%arg15 : memref<!tpu.dma_semaphore, #tpu.memory_space<semaphore_mem>>) src(%arg10 : memref<128x128xf32, #tpu.memory_space<vmem>>) dst(%dma_wait3A_74 : memref<10112x128xf32, #tpu.memory_space<vmem_shared>>)
      %dma_start3A_75 = arith.constant 3 : i32
      %dma_start3A_76 = arith.constant 0 : i32
      %dma_start3A_77 = tpu.memref_slice %arg7[%dma_start3A_75, %dma_start3A_76] : memref<8x128xi32, #tpu.memory_space<vmem>> -> memref<1x128xi32, #tpu.memory_space<vmem>>
      %dma_start3A_78 = tpu.memref_squeeze %dma_start3A_77 : memref<1x128xi32, #tpu.memory_space<vmem>> -> memref<128xi32, #tpu.memory_space<vmem>>
      %dma_start3A_79 = arith.constant 0 : i32
      %dma_start3A_80 = arith.constant 0 : i32
      %dma_start3A_81 = tpu.memref_slice %arg2[%dma_start3A_79, %dma_start3A_80] : memref<10000x128xf32, #tpu.memory_space<hbm>> -> memref<10000x128xf32, #tpu.memory_space<hbm>>
      tpu.enqueue_indirect_dma source(%dma_start3A_81 : memref<10000x128xf32, #tpu.memory_space<hbm>>) target(%arg10 : memref<128x128xf32, #tpu.memory_space<vmem>>) offsets(%dma_start3A_78 : memref<128xi32, #tpu.memory_space<vmem>>) semaphore(%arg13 : memref<!tpu.dma_semaphore, #tpu.memory_space<semaphore_mem>>)
      %dma_wait3A_82 = arith.constant 2 : i32
      %dma_wait3A_83 = arith.constant 0 : i32
      %dma_wait3A_84 = tpu.memref_slice %arg7[%dma_wait3A_82, %dma_wait3A_83] : memref<8x128xi32, #tpu.memory_space<vmem>> -> memref<1x128xi32, #tpu.memory_space<vmem>>
      %dma_wait3A_85 = tpu.memref_squeeze %dma_wait3A_84 : memref<1x128xi32, #tpu.memory_space<vmem>> -> memref<128xi32, #tpu.memory_space<vmem>>
      %dma_wait3A_86 = arith.constant 0 : i32
      %dma_wait3A_87 = arith.constant 0 : i32
      %dma_wait3A_88 = tpu.memref_slice %arg2[%dma_wait3A_86, %dma_wait3A_87] : memref<10000x128xf32, #tpu.memory_space<hbm>> -> memref<10000x128xf32, #tpu.memory_space<hbm>>
      tpu.wait_indirect_dma semaphore(%arg12 : memref<!tpu.dma_semaphore, #tpu.memory_space<semaphore_mem>>) src(%dma_wait3A_88 : memref<10000x128xf32, #tpu.memory_space<hbm>>) dst(%arg9 : memref<128x128xf32, #tpu.memory_space<vmem>>)
      %dma_start3A_89 = arith.constant 2 : i32
      %dma_start3A_90 = arith.constant 0 : i32
      %dma_start3A_91 = tpu.memref_slice %arg8[%dma_start3A_89, %dma_start3A_90] : memref<8x128xi32, #tpu.memory_space<vmem>> -> memref<1x128xi32, #tpu.memory_space<vmem>>
      %dma_start3A_92 = tpu.memref_squeeze %dma_start3A_91 : memref<1x128xi32, #tpu.memory_space<vmem>> -> memref<128xi32, #tpu.memory_space<vmem>>
      %dma_start3A_93 = arith.constant 0 : i32
      %dma_start3A_94 = arith.constant 0 : i32
      %dma_start3A_95 = tpu.memref_slice %arg11[%dma_start3A_93, %dma_start3A_94] : memref<10112x128xf32, #tpu.memory_space<vmem_shared>> -> memref<10112x128xf32, #tpu.memory_space<vmem_shared>>
      tpu.enqueue_indirect_dma source(%arg9 : memref<128x128xf32, #tpu.memory_space<vmem>>) target(%dma_start3A_95 : memref<10112x128xf32, #tpu.memory_space<vmem_shared>>) offsets(%dma_start3A_92 : memref<128xi32, #tpu.memory_space<vmem>>) semaphore(%arg14 : memref<!tpu.dma_semaphore, #tpu.memory_space<semaphore_mem>>) {add = true}
      %dma_wait3A_96 = arith.constant 2 : i32
      %dma_wait3A_97 = arith.constant 0 : i32
      %dma_wait3A_98 = tpu.memref_slice %arg8[%dma_wait3A_96, %dma_wait3A_97] : memref<8x128xi32, #tpu.memory_space<vmem>> -> memref<1x128xi32, #tpu.memory_space<vmem>>
      %dma_wait3A_99 = tpu.memref_squeeze %dma_wait3A_98 : memref<1x128xi32, #tpu.memory_space<vmem>> -> memref<128xi32, #tpu.memory_space<vmem>>
      %dma_wait3A_100 = arith.constant 0 : i32
      %dma_wait3A_101 = arith.constant 0 : i32
      %dma_wait3A_102 = tpu.memref_slice %arg11[%dma_wait3A_100, %dma_wait3A_101] : memref<10112x128xf32, #tpu.memory_space<vmem_shared>> -> memref<10112x128xf32, #tpu.memory_space<vmem_shared>>
      tpu.wait_indirect_dma semaphore(%arg14 : memref<!tpu.dma_semaphore, #tpu.memory_space<semaphore_mem>>) src(%arg9 : memref<128x128xf32, #tpu.memory_space<vmem>>) dst(%dma_wait3A_102 : memref<10112x128xf32, #tpu.memory_space<vmem_shared>>)
      %dma_start3A_103 = arith.constant 4 : i32
      %dma_start3A_104 = arith.constant 0 : i32
      %dma_start3A_105 = tpu.memref_slice %arg7[%dma_start3A_103, %dma_start3A_104] : memref<8x128xi32, #tpu.memory_space<vmem>> -> memref<1x128xi32, #tpu.memory_space<vmem>>
      %dma_start3A_106 = tpu.memref_squeeze %dma_start3A_105 : memref<1x128xi32, #tpu.memory_space<vmem>> -> memref<128xi32, #tpu.memory_space<vmem>>
      %dma_start3A_107 = arith.constant 0 : i32
      %dma_start3A_108 = arith.constant 0 : i32
      %dma_start3A_109 = tpu.memref_slice %arg2[%dma_start3A_107, %dma_start3A_108] : memref<10000x128xf32, #tpu.memory_space<hbm>> -> memref<10000x128xf32, #tpu.memory_space<hbm>>
      tpu.enqueue_indirect_dma source(%dma_start3A_109 : memref<10000x128xf32, #tpu.memory_space<hbm>>) target(%arg9 : memref<128x128xf32, #tpu.memory_space<vmem>>) offsets(%dma_start3A_106 : memref<128xi32, #tpu.memory_space<vmem>>) semaphore(%arg12 : memref<!tpu.dma_semaphore, #tpu.memory_space<semaphore_mem>>)
      %dma_wait3A_110 = arith.constant 3 : i32
      %dma_wait3A_111 = arith.constant 0 : i32
      %dma_wait3A_112 = tpu.memref_slice %arg7[%dma_wait3A_110, %dma_wait3A_111] : memref<8x128xi32, #tpu.memory_space<vmem>> -> memref<1x128xi32, #tpu.memory_space<vmem>>
      %dma_wait3A_113 = tpu.memref_squeeze %dma_wait3A_112 : memref<1x128xi32, #tpu.memory_space<vmem>> -> memref<128xi32, #tpu.memory_space<vmem>>
      %dma_wait3A_114 = arith.constant 0 : i32
      %dma_wait3A_115 = arith.constant 0 : i32
      %dma_wait3A_116 = tpu.memref_slice %arg2[%dma_wait3A_114, %dma_wait3A_115] : memref<10000x128xf32, #tpu.memory_space<hbm>> -> memref<10000x128xf32, #tpu.memory_space<hbm>>
      tpu.wait_indirect_dma semaphore(%arg13 : memref<!tpu.dma_semaphore, #tpu.memory_space<semaphore_mem>>) src(%dma_wait3A_116 : memref<10000x128xf32, #tpu.memory_space<hbm>>) dst(%arg10 : memref<128x128xf32, #tpu.memory_space<vmem>>)
      %dma_start3A_117 = arith.constant 3 : i32
      %dma_start3A_118 = arith.constant 0 : i32
      %dma_start3A_119 = tpu.memref_slice %arg8[%dma_start3A_117, %dma_start3A_118] : memref<8x128xi32, #tpu.memory_space<vmem>> -> memref<1x128xi32, #tpu.memory_space<vmem>>
      %dma_start3A_120 = tpu.memref_squeeze %dma_start3A_119 : memref<1x128xi32, #tpu.memory_space<vmem>> -> memref<128xi32, #tpu.memory_space<vmem>>
      %dma_start3A_121 = arith.constant 0 : i32
      %dma_start3A_122 = arith.constant 0 : i32
      %dma_start3A_123 = tpu.memref_slice %arg11[%dma_start3A_121, %dma_start3A_122] : memref<10112x128xf32, #tpu.memory_space<vmem_shared>> -> memref<10112x128xf32, #tpu.memory_space<vmem_shared>>
      tpu.enqueue_indirect_dma source(%arg10 : memref<128x128xf32, #tpu.memory_space<vmem>>) target(%dma_start3A_123 : memref<10112x128xf32, #tpu.memory_space<vmem_shared>>) offsets(%dma_start3A_120 : memref<128xi32, #tpu.memory_space<vmem>>) semaphore(%arg15 : memref<!tpu.dma_semaphore, #tpu.memory_space<semaphore_mem>>) {add = true}
      %dma_wait3A_124 = arith.constant 3 : i32
      %dma_wait3A_125 = arith.constant 0 : i32
      %dma_wait3A_126 = tpu.memref_slice %arg8[%dma_wait3A_124, %dma_wait3A_125] : memref<8x128xi32, #tpu.memory_space<vmem>> -> memref<1x128xi32, #tpu.memory_space<vmem>>
      %dma_wait3A_127 = tpu.memref_squeeze %dma_wait3A_126 : memref<1x128xi32, #tpu.memory_space<vmem>> -> memref<128xi32, #tpu.memory_space<vmem>>
      %dma_wait3A_128 = arith.constant 0 : i32
      %dma_wait3A_129 = arith.constant 0 : i32
      %dma_wait3A_130 = tpu.memref_slice %arg11[%dma_wait3A_128, %dma_wait3A_129] : memref<10112x128xf32, #tpu.memory_space<vmem_shared>> -> memref<10112x128xf32, #tpu.memory_space<vmem_shared>>
      tpu.wait_indirect_dma semaphore(%arg15 : memref<!tpu.dma_semaphore, #tpu.memory_space<semaphore_mem>>) src(%arg10 : memref<128x128xf32, #tpu.memory_space<vmem>>) dst(%dma_wait3A_130 : memref<10112x128xf32, #tpu.memory_space<vmem_shared>>)
      %dma_start3A_131 = arith.constant 5 : i32
      %dma_start3A_132 = arith.constant 0 : i32
      %dma_start3A_133 = tpu.memref_slice %arg7[%dma_start3A_131, %dma_start3A_132] : memref<8x128xi32, #tpu.memory_space<vmem>> -> memref<1x128xi32, #tpu.memory_space<vmem>>
      %dma_start3A_134 = tpu.memref_squeeze %dma_start3A_133 : memref<1x128xi32, #tpu.memory_space<vmem>> -> memref<128xi32, #tpu.memory_space<vmem>>
      %dma_start3A_135 = arith.constant 0 : i32
      %dma_start3A_136 = arith.constant 0 : i32
      %dma_start3A_137 = tpu.memref_slice %arg2[%dma_start3A_135, %dma_start3A_136] : memref<10000x128xf32, #tpu.memory_space<hbm>> -> memref<10000x128xf32, #tpu.memory_space<hbm>>
      tpu.enqueue_indirect_dma source(%dma_start3A_137 : memref<10000x128xf32, #tpu.memory_space<hbm>>) target(%arg10 : memref<128x128xf32, #tpu.memory_space<vmem>>) offsets(%dma_start3A_134 : memref<128xi32, #tpu.memory_space<vmem>>) semaphore(%arg13 : memref<!tpu.dma_semaphore, #tpu.memory_space<semaphore_mem>>)
      %dma_wait3A_138 = arith.constant 4 : i32
      %dma_wait3A_139 = arith.constant 0 : i32
      %dma_wait3A_140 = tpu.memref_slice %arg7[%dma_wait3A_138, %dma_wait3A_139] : memref<8x128xi32, #tpu.memory_space<vmem>> -> memref<1x128xi32, #tpu.memory_space<vmem>>
      %dma_wait3A_141 = tpu.memref_squeeze %dma_wait3A_140 : memref<1x128xi32, #tpu.memory_space<vmem>> -> memref<128xi32, #tpu.memory_space<vmem>>
      %dma_wait3A_142 = arith.constant 0 : i32
      %dma_wait3A_143 = arith.constant 0 : i32
      %dma_wait3A_144 = tpu.memref_slice %arg2[%dma_wait3A_142, %dma_wait3A_143] : memref<10000x128xf32, #tpu.memory_space<hbm>> -> memref<10000x128xf32, #tpu.memory_space<hbm>>
      tpu.wait_indirect_dma semaphore(%arg12 : memref<!tpu.dma_semaphore, #tpu.memory_space<semaphore_mem>>) src(%dma_wait3A_144 : memref<10000x128xf32, #tpu.memory_space<hbm>>) dst(%arg9 : memref<128x128xf32, #tpu.memory_space<vmem>>)
      %dma_start3A_145 = arith.constant 4 : i32
      %dma_start3A_146 = arith.constant 0 : i32
      %dma_start3A_147 = tpu.memref_slice %arg8[%dma_start3A_145, %dma_start3A_146] : memref<8x128xi32, #tpu.memory_space<vmem>> -> memref<1x128xi32, #tpu.memory_space<vmem>>
      %dma_start3A_148 = tpu.memref_squeeze %dma_start3A_147 : memref<1x128xi32, #tpu.memory_space<vmem>> -> memref<128xi32, #tpu.memory_space<vmem>>
      %dma_start3A_149 = arith.constant 0 : i32
      %dma_start3A_150 = arith.constant 0 : i32
      %dma_start3A_151 = tpu.memref_slice %arg11[%dma_start3A_149, %dma_start3A_150] : memref<10112x128xf32, #tpu.memory_space<vmem_shared>> -> memref<10112x128xf32, #tpu.memory_space<vmem_shared>>
      tpu.enqueue_indirect_dma source(%arg9 : memref<128x128xf32, #tpu.memory_space<vmem>>) target(%dma_start3A_151 : memref<10112x128xf32, #tpu.memory_space<vmem_shared>>) offsets(%dma_start3A_148 : memref<128xi32, #tpu.memory_space<vmem>>) semaphore(%arg14 : memref<!tpu.dma_semaphore, #tpu.memory_space<semaphore_mem>>) {add = true}
      %dma_wait3A_152 = arith.constant 4 : i32
      %dma_wait3A_153 = arith.constant 0 : i32
      %dma_wait3A_154 = tpu.memref_slice %arg8[%dma_wait3A_152, %dma_wait3A_153] : memref<8x128xi32, #tpu.memory_space<vmem>> -> memref<1x128xi32, #tpu.memory_space<vmem>>
      %dma_wait3A_155 = tpu.memref_squeeze %dma_wait3A_154 : memref<1x128xi32, #tpu.memory_space<vmem>> -> memref<128xi32, #tpu.memory_space<vmem>>
      %dma_wait3A_156 = arith.constant 0 : i32
      %dma_wait3A_157 = arith.constant 0 : i32
      %dma_wait3A_158 = tpu.memref_slice %arg11[%dma_wait3A_156, %dma_wait3A_157] : memref<10112x128xf32, #tpu.memory_space<vmem_shared>> -> memref<10112x128xf32, #tpu.memory_space<vmem_shared>>
      tpu.wait_indirect_dma semaphore(%arg14 : memref<!tpu.dma_semaphore, #tpu.memory_space<semaphore_mem>>) src(%arg9 : memref<128x128xf32, #tpu.memory_space<vmem>>) dst(%dma_wait3A_158 : memref<10112x128xf32, #tpu.memory_space<vmem_shared>>)
      %dma_start3A_159 = arith.constant 6 : i32
      %dma_start3A_160 = arith.constant 0 : i32
      %dma_start3A_161 = tpu.memref_slice %arg7[%dma_start3A_159, %dma_start3A_160] : memref<8x128xi32, #tpu.memory_space<vmem>> -> memref<1x128xi32, #tpu.memory_space<vmem>>
      %dma_start3A_162 = tpu.memref_squeeze %dma_start3A_161 : memref<1x128xi32, #tpu.memory_space<vmem>> -> memref<128xi32, #tpu.memory_space<vmem>>
      %dma_start3A_163 = arith.constant 0 : i32
      %dma_start3A_164 = arith.constant 0 : i32
      %dma_start3A_165 = tpu.memref_slice %arg2[%dma_start3A_163, %dma_start3A_164] : memref<10000x128xf32, #tpu.memory_space<hbm>> -> memref<10000x128xf32, #tpu.memory_space<hbm>>
      tpu.enqueue_indirect_dma source(%dma_start3A_165 : memref<10000x128xf32, #tpu.memory_space<hbm>>) target(%arg9 : memref<128x128xf32, #tpu.memory_space<vmem>>) offsets(%dma_start3A_162 : memref<128xi32, #tpu.memory_space<vmem>>) semaphore(%arg12 : memref<!tpu.dma_semaphore, #tpu.memory_space<semaphore_mem>>)
      %dma_wait3A_166 = arith.constant 5 : i32
      %dma_wait3A_167 = arith.constant 0 : i32
      %dma_wait3A_168 = tpu.memref_slice %arg7[%dma_wait3A_166, %dma_wait3A_167] : memref<8x128xi32, #tpu.memory_space<vmem>> -> memref<1x128xi32, #tpu.memory_space<vmem>>
      %dma_wait3A_169 = tpu.memref_squeeze %dma_wait3A_168 : memref<1x128xi32, #tpu.memory_space<vmem>> -> memref<128xi32, #tpu.memory_space<vmem>>
      %dma_wait3A_170 = arith.constant 0 : i32
      %dma_wait3A_171 = arith.constant 0 : i32
      %dma_wait3A_172 = tpu.memref_slice %arg2[%dma_wait3A_170, %dma_wait3A_171] : memref<10000x128xf32, #tpu.memory_space<hbm>> -> memref<10000x128xf32, #tpu.memory_space<hbm>>
      tpu.wait_indirect_dma semaphore(%arg13 : memref<!tpu.dma_semaphore, #tpu.memory_space<semaphore_mem>>) src(%dma_wait3A_172 : memref<10000x128xf32, #tpu.memory_space<hbm>>) dst(%arg10 : memref<128x128xf32, #tpu.memory_space<vmem>>)
      %dma_start3A_173 = arith.constant 5 : i32
      %dma_start3A_174 = arith.constant 0 : i32
      %dma_start3A_175 = tpu.memref_slice %arg8[%dma_start3A_173, %dma_start3A_174] : memref<8x128xi32, #tpu.memory_space<vmem>> -> memref<1x128xi32, #tpu.memory_space<vmem>>
      %dma_start3A_176 = tpu.memref_squeeze %dma_start3A_175 : memref<1x128xi32, #tpu.memory_space<vmem>> -> memref<128xi32, #tpu.memory_space<vmem>>
      %dma_start3A_177 = arith.constant 0 : i32
      %dma_start3A_178 = arith.constant 0 : i32
      %dma_start3A_179 = tpu.memref_slice %arg11[%dma_start3A_177, %dma_start3A_178] : memref<10112x128xf32, #tpu.memory_space<vmem_shared>> -> memref<10112x128xf32, #tpu.memory_space<vmem_shared>>
      tpu.enqueue_indirect_dma source(%arg10 : memref<128x128xf32, #tpu.memory_space<vmem>>) target(%dma_start3A_179 : memref<10112x128xf32, #tpu.memory_space<vmem_shared>>) offsets(%dma_start3A_176 : memref<128xi32, #tpu.memory_space<vmem>>) semaphore(%arg15 : memref<!tpu.dma_semaphore, #tpu.memory_space<semaphore_mem>>) {add = true}
      %dma_wait3A_180 = arith.constant 5 : i32
      %dma_wait3A_181 = arith.constant 0 : i32
      %dma_wait3A_182 = tpu.memref_slice %arg8[%dma_wait3A_180, %dma_wait3A_181] : memref<8x128xi32, #tpu.memory_space<vmem>> -> memref<1x128xi32, #tpu.memory_space<vmem>>
      %dma_wait3A_183 = tpu.memref_squeeze %dma_wait3A_182 : memref<1x128xi32, #tpu.memory_space<vmem>> -> memref<128xi32, #tpu.memory_space<vmem>>
      %dma_wait3A_184 = arith.constant 0 : i32
      %dma_wait3A_185 = arith.constant 0 : i32
      %dma_wait3A_186 = tpu.memref_slice %arg11[%dma_wait3A_184, %dma_wait3A_185] : memref<10112x128xf32, #tpu.memory_space<vmem_shared>> -> memref<10112x128xf32, #tpu.memory_space<vmem_shared>>
      tpu.wait_indirect_dma semaphore(%arg15 : memref<!tpu.dma_semaphore, #tpu.memory_space<semaphore_mem>>) src(%arg10 : memref<128x128xf32, #tpu.memory_space<vmem>>) dst(%dma_wait3A_186 : memref<10112x128xf32, #tpu.memory_space<vmem_shared>>)
      %dma_start3A_187 = arith.constant 7 : i32
      %dma_start3A_188 = arith.constant 0 : i32
      %dma_start3A_189 = tpu.memref_slice %arg7[%dma_start3A_187, %dma_start3A_188] : memref<8x128xi32, #tpu.memory_space<vmem>> -> memref<1x128xi32, #tpu.memory_space<vmem>>
      %dma_start3A_190 = tpu.memref_squeeze %dma_start3A_189 : memref<1x128xi32, #tpu.memory_space<vmem>> -> memref<128xi32, #tpu.memory_space<vmem>>
      %dma_start3A_191 = arith.constant 0 : i32
      %dma_start3A_192 = arith.constant 0 : i32
      %dma_start3A_193 = tpu.memref_slice %arg2[%dma_start3A_191, %dma_start3A_192] : memref<10000x128xf32, #tpu.memory_space<hbm>> -> memref<10000x128xf32, #tpu.memory_space<hbm>>
      tpu.enqueue_indirect_dma source(%dma_start3A_193 : memref<10000x128xf32, #tpu.memory_space<hbm>>) target(%arg10 : memref<128x128xf32, #tpu.memory_space<vmem>>) offsets(%dma_start3A_190 : memref<128xi32, #tpu.memory_space<vmem>>) semaphore(%arg13 : memref<!tpu.dma_semaphore, #tpu.memory_space<semaphore_mem>>)
      %dma_wait3A_194 = arith.constant 6 : i32
      %dma_wait3A_195 = arith.constant 0 : i32
      %dma_wait3A_196 = tpu.memref_slice %arg7[%dma_wait3A_194, %dma_wait3A_195] : memref<8x128xi32, #tpu.memory_space<vmem>> -> memref<1x128xi32, #tpu.memory_space<vmem>>
      %dma_wait3A_197 = tpu.memref_squeeze %dma_wait3A_196 : memref<1x128xi32, #tpu.memory_space<vmem>> -> memref<128xi32, #tpu.memory_space<vmem>>
      %dma_wait3A_198 = arith.constant 0 : i32
      %dma_wait3A_199 = arith.constant 0 : i32
      %dma_wait3A_200 = tpu.memref_slice %arg2[%dma_wait3A_198, %dma_wait3A_199] : memref<10000x128xf32, #tpu.memory_space<hbm>> -> memref<10000x128xf32, #tpu.memory_space<hbm>>
      tpu.wait_indirect_dma semaphore(%arg12 : memref<!tpu.dma_semaphore, #tpu.memory_space<semaphore_mem>>) src(%dma_wait3A_200 : memref<10000x128xf32, #tpu.memory_space<hbm>>) dst(%arg9 : memref<128x128xf32, #tpu.memory_space<vmem>>)
      %dma_start3A_201 = arith.constant 6 : i32
      %dma_start3A_202 = arith.constant 0 : i32
      %dma_start3A_203 = tpu.memref_slice %arg8[%dma_start3A_201, %dma_start3A_202] : memref<8x128xi32, #tpu.memory_space<vmem>> -> memref<1x128xi32, #tpu.memory_space<vmem>>
      %dma_start3A_204 = tpu.memref_squeeze %dma_start3A_203 : memref<1x128xi32, #tpu.memory_space<vmem>> -> memref<128xi32, #tpu.memory_space<vmem>>
      %dma_start3A_205 = arith.constant 0 : i32
      %dma_start3A_206 = arith.constant 0 : i32
      %dma_start3A_207 = tpu.memref_slice %arg11[%dma_start3A_205, %dma_start3A_206] : memref<10112x128xf32, #tpu.memory_space<vmem_shared>> -> memref<10112x128xf32, #tpu.memory_space<vmem_shared>>
      tpu.enqueue_indirect_dma source(%arg9 : memref<128x128xf32, #tpu.memory_space<vmem>>) target(%dma_start3A_207 : memref<10112x128xf32, #tpu.memory_space<vmem_shared>>) offsets(%dma_start3A_204 : memref<128xi32, #tpu.memory_space<vmem>>) semaphore(%arg14 : memref<!tpu.dma_semaphore, #tpu.memory_space<semaphore_mem>>) {add = true}
      %dma_wait3A_208 = arith.constant 7 : i32
      %dma_wait3A_209 = arith.constant 0 : i32
      %dma_wait3A_210 = tpu.memref_slice %arg7[%dma_wait3A_208, %dma_wait3A_209] : memref<8x128xi32, #tpu.memory_space<vmem>> -> memref<1x128xi32, #tpu.memory_space<vmem>>
      %dma_wait3A_211 = tpu.memref_squeeze %dma_wait3A_210 : memref<1x128xi32, #tpu.memory_space<vmem>> -> memref<128xi32, #tpu.memory_space<vmem>>
      %dma_wait3A_212 = arith.constant 0 : i32
      %dma_wait3A_213 = arith.constant 0 : i32
      %dma_wait3A_214 = tpu.memref_slice %arg2[%dma_wait3A_212, %dma_wait3A_213] : memref<10000x128xf32, #tpu.memory_space<hbm>> -> memref<10000x128xf32, #tpu.memory_space<hbm>>
      tpu.wait_indirect_dma semaphore(%arg13 : memref<!tpu.dma_semaphore, #tpu.memory_space<semaphore_mem>>) src(%dma_wait3A_214 : memref<10000x128xf32, #tpu.memory_space<hbm>>) dst(%arg10 : memref<128x128xf32, #tpu.memory_space<vmem>>)
      %dma_start3A_215 = arith.constant 7 : i32
      %dma_start3A_216 = arith.constant 0 : i32
      %dma_start3A_217 = tpu.memref_slice %arg8[%dma_start3A_215, %dma_start3A_216] : memref<8x128xi32, #tpu.memory_space<vmem>> -> memref<1x128xi32, #tpu.memory_space<vmem>>
      %dma_start3A_218 = tpu.memref_squeeze %dma_start3A_217 : memref<1x128xi32, #tpu.memory_space<vmem>> -> memref<128xi32, #tpu.memory_space<vmem>>
      %dma_start3A_219 = arith.constant 0 : i32
      %dma_start3A_220 = arith.constant 0 : i32
      %dma_start3A_221 = tpu.memref_slice %arg11[%dma_start3A_219, %dma_start3A_220] : memref<10112x128xf32, #tpu.memory_space<vmem_shared>> -> memref<10112x128xf32, #tpu.memory_space<vmem_shared>>
      tpu.enqueue_indirect_dma source(%arg10 : memref<128x128xf32, #tpu.memory_space<vmem>>) target(%dma_start3A_221 : memref<10112x128xf32, #tpu.memory_space<vmem_shared>>) offsets(%dma_start3A_218 : memref<128xi32, #tpu.memory_space<vmem>>) semaphore(%arg15 : memref<!tpu.dma_semaphore, #tpu.memory_space<semaphore_mem>>) {add = true}
      %dma_wait3A_222 = arith.constant 6 : i32
      %dma_wait3A_223 = arith.constant 0 : i32
      %dma_wait3A_224 = tpu.memref_slice %arg8[%dma_wait3A_222, %dma_wait3A_223] : memref<8x128xi32, #tpu.memory_space<vmem>> -> memref<1x128xi32, #tpu.memory_space<vmem>>
      %dma_wait3A_225 = tpu.memref_squeeze %dma_wait3A_224 : memref<1x128xi32, #tpu.memory_space<vmem>> -> memref<128xi32, #tpu.memory_space<vmem>>
      %dma_wait3A_226 = arith.constant 0 : i32
      %dma_wait3A_227 = arith.constant 0 : i32
      %dma_wait3A_228 = tpu.memref_slice %arg11[%dma_wait3A_226, %dma_wait3A_227] : memref<10112x128xf32, #tpu.memory_space<vmem_shared>> -> memref<10112x128xf32, #tpu.memory_space<vmem_shared>>
      tpu.wait_indirect_dma semaphore(%arg14 : memref<!tpu.dma_semaphore, #tpu.memory_space<semaphore_mem>>) src(%arg9 : memref<128x128xf32, #tpu.memory_space<vmem>>) dst(%dma_wait3A_228 : memref<10112x128xf32, #tpu.memory_space<vmem_shared>>)
      %dma_wait3A_229 = arith.constant 7 : i32
      %dma_wait3A_230 = arith.constant 0 : i32
      %dma_wait3A_231 = tpu.memref_slice %arg8[%dma_wait3A_229, %dma_wait3A_230] : memref<8x128xi32, #tpu.memory_space<vmem>> -> memref<1x128xi32, #tpu.memory_space<vmem>>
      %dma_wait3A_232 = tpu.memref_squeeze %dma_wait3A_231 : memref<1x128xi32, #tpu.memory_space<vmem>> -> memref<128xi32, #tpu.memory_space<vmem>>
      %dma_wait3A_233 = arith.constant 0 : i32
      %dma_wait3A_234 = arith.constant 0 : i32
      %dma_wait3A_235 = tpu.memref_slice %arg11[%dma_wait3A_233, %dma_wait3A_234] : memref<10112x128xf32, #tpu.memory_space<vmem_shared>> -> memref<10112x128xf32, #tpu.memory_space<vmem_shared>>
      tpu.wait_indirect_dma semaphore(%arg15 : memref<!tpu.dma_semaphore, #tpu.memory_space<semaphore_mem>>) src(%arg10 : memref<128x128xf32, #tpu.memory_space<vmem>>) dst(%dma_wait3A_235 : memref<10112x128xf32, #tpu.memory_space<vmem_shared>>)
    }
    %scan3A_7 = arith.constant 10 : i32
    %barrier3A_8 = arith.constant 0 : index
    tpu.barrier barrier_id(%barrier3A_8)
    "tpu.region"() ({
      %run_scoped3A = tpu.sem_alloc : memref<!tpu.dma_semaphore, #tpu.memory_space<semaphore_mem>>
      %dma_start3A = arith.constant 0 : i32
      %dma_start3A_9 = tpu.memref_slice %arg6[%arg0, %mul3A_2, %dma_start3A] : memref<2x10112x128xf32, #tpu.memory_space<hbm>> -> memref<1x632x128xf32, #tpu.memory_space<hbm>>
      %dma_start3A_10 = tpu.memref_squeeze %dma_start3A_9 : memref<1x632x128xf32, #tpu.memory_space<hbm>> -> memref<632x128xf32, #tpu.memory_space<hbm>>
      %dma_start3A_11 = arith.constant 0 : i32
      %dma_start3A_12 = tpu.memref_slice %arg11[%mul3A_2, %dma_start3A_11] : memref<10112x128xf32, #tpu.memory_space<vmem_shared>> -> memref<632x128xf32, #tpu.memory_space<vmem_shared>>
      tpu.enqueue_dma source(%dma_start3A_12 : memref<632x128xf32, #tpu.memory_space<vmem_shared>>) target(%dma_start3A_10 : memref<632x128xf32, #tpu.memory_space<hbm>>) target_semaphore(%run_scoped3A : memref<!tpu.dma_semaphore, #tpu.memory_space<semaphore_mem>>)
      %dma_wait3A = arith.constant 0 : i32
      %dma_wait3A_13 = tpu.memref_slice %arg6[%arg0, %mul3A_2, %dma_wait3A] : memref<2x10112x128xf32, #tpu.memory_space<hbm>> -> memref<1x632x128xf32, #tpu.memory_space<hbm>>
      %dma_wait3A_14 = tpu.memref_squeeze %dma_wait3A_13 : memref<1x632x128xf32, #tpu.memory_space<hbm>> -> memref<632x128xf32, #tpu.memory_space<hbm>>
      %dma_wait3A_15 = arith.constant 0 : i32
      %dma_wait3A_16 = tpu.memref_slice %arg11[%mul3A_2, %dma_wait3A_15] : memref<10112x128xf32, #tpu.memory_space<vmem_shared>> -> memref<632x128xf32, #tpu.memory_space<vmem_shared>>
      tpu.wait_dma2 semaphore(%run_scoped3A : memref<!tpu.dma_semaphore, #tpu.memory_space<semaphore_mem>>) src(%dma_wait3A_16 : memref<632x128xf32, #tpu.memory_space<vmem_shared>>) dst(%dma_wait3A_14 : memref<632x128xf32, #tpu.memory_space<hbm>>)
      tpu.yield
    }) : () -> ()
    return
  }
}

#map = affine_map<(d0, d1) -> (0, 0)>
#map1 = affine_map<(d0, d1) -> (0, 0, 0)>
module attributes {stable_mosaic.version = 14 : i64} {
  func.func @_seg(%arg0: i32, %arg1: i32, %arg2: memref<10000x128xf32, #tpu.memory_space<hbm>>, %arg3: memref<32x80x128xi32, #tpu.memory_space<hbm>>, %arg4: memref<32x80x128xi32, #tpu.memory_space<hbm>>, %arg5: memref<10112x128xf32, #tpu.memory_space<hbm>>, %arg6: memref<2x10112x128xf32, #tpu.memory_space<hbm>>, %arg7: memref<8x128xi32, #tpu.memory_space<vmem>>, %arg8: memref<8x128xi32, #tpu.memory_space<vmem>>, %arg9: memref<128x128xf32, #tpu.memory_space<vmem>>, %arg10: memref<128x128xf32, #tpu.memory_space<vmem>>, %arg11: memref<10112x128xf32, #tpu.memory_space<vmem_shared>>, %arg12: memref<!tpu.dma_semaphore, #tpu.memory_space<semaphore_mem>>, %arg13: memref<!tpu.dma_semaphore, #tpu.memory_space<semaphore_mem>>, %arg14: memref<!tpu.dma_semaphore, #tpu.memory_space<semaphore_mem>>, %arg15: memref<!tpu.dma_semaphore, #tpu.memory_space<semaphore_mem>>) attributes {dimension_semantics = [#tpu.dimension_semantics<core_parallel>, #tpu.dimension_semantics<subcore_parallel>], iteration_bounds = array<i64: 2, 16>, scalar_prefetch = 0 : i64, scratch_operands = 9 : i64, tpu.core_type = #tpu.core_type<sc_vector_subcore>, window_params = [{transform_indices = #map}, {transform_indices = #map1}, {transform_indices = #map1}, {transform_indices = #map}, {transform_indices = #map1}]} {
    %mul3A = arith.constant 16 : i32
    %mul3A_0 = arith.muli %arg0, %mul3A : i32
    %add3A = arith.addi %mul3A_0, %arg1 : i32
    %mul3A_1 = arith.constant 632 : i32
    %mul3A_2 = arith.muli %arg1, %mul3A_1 : i32
    "tpu.region"() ({
      %run_scoped3A = tpu.sem_alloc : memref<!tpu.dma_semaphore, #tpu.memory_space<semaphore_mem>>
      %dma_start3A = arith.constant 0 : i32
      %dma_start3A_9 = tpu.memref_slice %arg11[%mul3A_2, %dma_start3A] : memref<10112x128xf32, #tpu.memory_space<vmem_shared>> -> memref<632x128xf32, #tpu.memory_space<vmem_shared>>
      %dma_start3A_10 = arith.constant 0 : i32
      %dma_start3A_11 = tpu.memref_slice %arg5[%mul3A_2, %dma_start3A_10] : memref<10112x128xf32, #tpu.memory_space<hbm>> -> memref<632x128xf32, #tpu.memory_space<hbm>>
      tpu.enqueue_dma source(%dma_start3A_11 : memref<632x128xf32, #tpu.memory_space<hbm>>) target(%dma_start3A_9 : memref<632x128xf32, #tpu.memory_space<vmem_shared>>) target_semaphore(%run_scoped3A : memref<!tpu.dma_semaphore, #tpu.memory_space<semaphore_mem>>)
      %dma_wait3A = arith.constant 0 : i32
      %dma_wait3A_12 = tpu.memref_slice %arg11[%mul3A_2, %dma_wait3A] : memref<10112x128xf32, #tpu.memory_space<vmem_shared>> -> memref<632x128xf32, #tpu.memory_space<vmem_shared>>
      %dma_wait3A_13 = arith.constant 0 : i32
      %dma_wait3A_14 = tpu.memref_slice %arg5[%mul3A_2, %dma_wait3A_13] : memref<10112x128xf32, #tpu.memory_space<hbm>> -> memref<632x128xf32, #tpu.memory_space<hbm>>
      tpu.wait_dma2 semaphore(%run_scoped3A : memref<!tpu.dma_semaphore, #tpu.memory_space<semaphore_mem>>) src(%dma_wait3A_14 : memref<632x128xf32, #tpu.memory_space<hbm>>) dst(%dma_wait3A_12 : memref<632x128xf32, #tpu.memory_space<vmem_shared>>)
      tpu.yield
    }) : () -> ()
    %barrier3A = arith.constant 0 : index
    tpu.barrier barrier_id(%barrier3A)
    %scan3A = arith.constant 0 : i32
    %scan3A_3 = arith.constant 0 : i32
    %scan3A_4 = arith.constant 10 : i32
    %scan3A_5 = arith.addi %scan3A_3, %scan3A_4 : i32
    %scan3A_6 = arith.constant 1 : i32
    scf.for %scan3A_9 = %scan3A_3 to %scan3A_5 step %scan3A_6  : i32 {
      %mul3A_10 = arith.constant 8 : i32
      %mul3A_11 = arith.muli %scan3A_9, %mul3A_10 : i32
      "tpu.region"() ({
        %run_scoped3A = tpu.sem_alloc : memref<!tpu.dma_semaphore, #tpu.memory_space<semaphore_mem>>
        %dma_start3A_236 = arith.constant 0 : i32
        %dma_start3A_237 = tpu.memref_slice %arg3[%add3A, %mul3A_11, %dma_start3A_236] : memref<32x80x128xi32, #tpu.memory_space<hbm>> -> memref<1x8x128xi32, #tpu.memory_space<hbm>>
        %dma_start3A_238 = tpu.memref_squeeze %dma_start3A_237 : memref<1x8x128xi32, #tpu.memory_space<hbm>> -> memref<8x128xi32, #tpu.memory_space<hbm>>
        %dma_start3A_239 = arith.constant 0 : i32
        %dma_start3A_240 = tpu.memref_slice %arg3[%add3A, %mul3A_11, %dma_start3A_239] : memref<32x80x128xi32, #tpu.memory_space<hbm>> -> memref<1x8x128xi32, #tpu.memory_space<hbm>>
        %dma_start3A_241 = tpu.memref_squeeze %dma_start3A_240 : memref<1x8x128xi32, #tpu.memory_space<hbm>> -> memref<8x128xi32, #tpu.memory_space<hbm>>
        tpu.enqueue_dma source(%dma_start3A_241 : memref<8x128xi32, #tpu.memory_space<hbm>>) target(%arg7 : memref<8x128xi32, #tpu.memory_space<vmem>>) target_semaphore(%run_scoped3A : memref<!tpu.dma_semaphore, #tpu.memory_space<semaphore_mem>>)
        %dma_wait3A_242 = arith.constant 0 : i32
        %dma_wait3A_243 = tpu.memref_slice %arg3[%add3A, %mul3A_11, %dma_wait3A_242] : memref<32x80x128xi32, #tpu.memory_space<hbm>> -> memref<1x8x128xi32, #tpu.memory_space<hbm>>
        %dma_wait3A_244 = tpu.memref_squeeze %dma_wait3A_243 : memref<1x8x128xi32, #tpu.memory_space<hbm>> -> memref<8x128xi32, #tpu.memory_space<hbm>>
        %dma_wait3A_245 = arith.constant 0 : i32
        %dma_wait3A_246 = tpu.memref_slice %arg3[%add3A, %mul3A_11, %dma_wait3A_245] : memref<32x80x128xi32, #tpu.memory_space<hbm>> -> memref<1x8x128xi32, #tpu.memory_space<hbm>>
        %dma_wait3A_247 = tpu.memref_squeeze %dma_wait3A_246 : memref<1x8x128xi32, #tpu.memory_space<hbm>> -> memref<8x128xi32, #tpu.memory_space<hbm>>
        tpu.wait_dma2 semaphore(%run_scoped3A : memref<!tpu.dma_semaphore, #tpu.memory_space<semaphore_mem>>) src(%dma_wait3A_247 : memref<8x128xi32, #tpu.memory_space<hbm>>) dst(%arg7 : memref<8x128xi32, #tpu.memory_space<vmem>>)
        tpu.yield
      }) : () -> ()
      %mul3A_12 = arith.constant 8 : i32
      %mul3A_13 = arith.muli %scan3A_9, %mul3A_12 : i32
      "tpu.region"() ({
        %run_scoped3A = tpu.sem_alloc : memref<!tpu.dma_semaphore, #tpu.memory_space<semaphore_mem>>
        %dma_start3A_236 = arith.constant 0 : i32
        %dma_start3A_237 = tpu.memref_slice %arg4[%add3A, %mul3A_13, %dma_start3A_236] : memref<32x80x128xi32, #tpu.memory_space<hbm>> -> memref<1x8x128xi32, #tpu.memory_space<hbm>>
        %dma_start3A_238 = tpu.memref_squeeze %dma_start3A_237 : memref<1x8x128xi32, #tpu.memory_space<hbm>> -> memref<8x128xi32, #tpu.memory_space<hbm>>
        %dma_start3A_239 = arith.constant 0 : i32
        %dma_start3A_240 = tpu.memref_slice %arg4[%add3A, %mul3A_13, %dma_start3A_239] : memref<32x80x128xi32, #tpu.memory_space<hbm>> -> memref<1x8x128xi32, #tpu.memory_space<hbm>>
        %dma_start3A_241 = tpu.memref_squeeze %dma_start3A_240 : memref<1x8x128xi32, #tpu.memory_space<hbm>> -> memref<8x128xi32, #tpu.memory_space<hbm>>
        tpu.enqueue_dma source(%dma_start3A_241 : memref<8x128xi32, #tpu.memory_space<hbm>>) target(%arg8 : memref<8x128xi32, #tpu.memory_space<vmem>>) target_semaphore(%run_scoped3A : memref<!tpu.dma_semaphore, #tpu.memory_space<semaphore_mem>>)
        %dma_wait3A_242 = arith.constant 0 : i32
        %dma_wait3A_243 = tpu.memref_slice %arg4[%add3A, %mul3A_13, %dma_wait3A_242] : memref<32x80x128xi32, #tpu.memory_space<hbm>> -> memref<1x8x128xi32, #tpu.memory_space<hbm>>
        %dma_wait3A_244 = tpu.memref_squeeze %dma_wait3A_243 : memref<1x8x128xi32, #tpu.memory_space<hbm>> -> memref<8x128xi32, #tpu.memory_space<hbm>>
        %dma_wait3A_245 = arith.constant 0 : i32
        %dma_wait3A_246 = tpu.memref_slice %arg4[%add3A, %mul3A_13, %dma_wait3A_245] : memref<32x80x128xi32, #tpu.memory_space<hbm>> -> memref<1x8x128xi32, #tpu.memory_space<hbm>>
        %dma_wait3A_247 = tpu.memref_squeeze %dma_wait3A_246 : memref<1x8x128xi32, #tpu.memory_space<hbm>> -> memref<8x128xi32, #tpu.memory_space<hbm>>
        tpu.wait_dma2 semaphore(%run_scoped3A : memref<!tpu.dma_semaphore, #tpu.memory_space<semaphore_mem>>) src(%dma_wait3A_247 : memref<8x128xi32, #tpu.memory_space<hbm>>) dst(%arg8 : memref<8x128xi32, #tpu.memory_space<vmem>>)
        tpu.yield
      }) : () -> ()
      %dma_start3A = arith.constant 0 : i32
      %dma_start3A_14 = arith.constant 0 : i32
      %dma_start3A_15 = tpu.memref_slice %arg7[%dma_start3A, %dma_start3A_14] : memref<8x128xi32, #tpu.memory_space<vmem>> -> memref<1x128xi32, #tpu.memory_space<vmem>>
      %dma_start3A_16 = tpu.memref_squeeze %dma_start3A_15 : memref<1x128xi32, #tpu.memory_space<vmem>> -> memref<128xi32, #tpu.memory_space<vmem>>
      %dma_start3A_17 = arith.constant 0 : i32
      %dma_start3A_18 = arith.constant 0 : i32
      %dma_start3A_19 = tpu.memref_slice %arg2[%dma_start3A_17, %dma_start3A_18] : memref<10000x128xf32, #tpu.memory_space<hbm>> -> memref<10000x128xf32, #tpu.memory_space<hbm>>
      tpu.enqueue_indirect_dma source(%dma_start3A_19 : memref<10000x128xf32, #tpu.memory_space<hbm>>) target(%arg9 : memref<128x128xf32, #tpu.memory_space<vmem>>) offsets(%dma_start3A_16 : memref<128xi32, #tpu.memory_space<vmem>>) semaphore(%arg12 : memref<!tpu.dma_semaphore, #tpu.memory_space<semaphore_mem>>)
      %dma_start3A_20 = arith.constant 1 : i32
      %dma_start3A_21 = arith.constant 0 : i32
      %dma_start3A_22 = tpu.memref_slice %arg7[%dma_start3A_20, %dma_start3A_21] : memref<8x128xi32, #tpu.memory_space<vmem>> -> memref<1x128xi32, #tpu.memory_space<vmem>>
      %dma_start3A_23 = tpu.memref_squeeze %dma_start3A_22 : memref<1x128xi32, #tpu.memory_space<vmem>> -> memref<128xi32, #tpu.memory_space<vmem>>
      %dma_start3A_24 = arith.constant 0 : i32
      %dma_start3A_25 = arith.constant 0 : i32
      %dma_start3A_26 = tpu.memref_slice %arg2[%dma_start3A_24, %dma_start3A_25] : memref<10000x128xf32, #tpu.memory_space<hbm>> -> memref<10000x128xf32, #tpu.memory_space<hbm>>
      tpu.enqueue_indirect_dma source(%dma_start3A_26 : memref<10000x128xf32, #tpu.memory_space<hbm>>) target(%arg10 : memref<128x128xf32, #tpu.memory_space<vmem>>) offsets(%dma_start3A_23 : memref<128xi32, #tpu.memory_space<vmem>>) semaphore(%arg13 : memref<!tpu.dma_semaphore, #tpu.memory_space<semaphore_mem>>)
      %dma_wait3A = arith.constant 0 : i32
      %dma_wait3A_27 = arith.constant 0 : i32
      %dma_wait3A_28 = tpu.memref_slice %arg7[%dma_wait3A, %dma_wait3A_27] : memref<8x128xi32, #tpu.memory_space<vmem>> -> memref<1x128xi32, #tpu.memory_space<vmem>>
      %dma_wait3A_29 = tpu.memref_squeeze %dma_wait3A_28 : memref<1x128xi32, #tpu.memory_space<vmem>> -> memref<128xi32, #tpu.memory_space<vmem>>
      %dma_wait3A_30 = arith.constant 0 : i32
      %dma_wait3A_31 = arith.constant 0 : i32
      %dma_wait3A_32 = tpu.memref_slice %arg2[%dma_wait3A_30, %dma_wait3A_31] : memref<10000x128xf32, #tpu.memory_space<hbm>> -> memref<10000x128xf32, #tpu.memory_space<hbm>>
      tpu.wait_indirect_dma semaphore(%arg12 : memref<!tpu.dma_semaphore, #tpu.memory_space<semaphore_mem>>) src(%dma_wait3A_32 : memref<10000x128xf32, #tpu.memory_space<hbm>>) dst(%arg9 : memref<128x128xf32, #tpu.memory_space<vmem>>)
      %dma_start3A_33 = arith.constant 0 : i32
      %dma_start3A_34 = arith.constant 0 : i32
      %dma_start3A_35 = tpu.memref_slice %arg8[%dma_start3A_33, %dma_start3A_34] : memref<8x128xi32, #tpu.memory_space<vmem>> -> memref<1x128xi32, #tpu.memory_space<vmem>>
      %dma_start3A_36 = tpu.memref_squeeze %dma_start3A_35 : memref<1x128xi32, #tpu.memory_space<vmem>> -> memref<128xi32, #tpu.memory_space<vmem>>
      %dma_start3A_37 = arith.constant 0 : i32
      %dma_start3A_38 = arith.constant 0 : i32
      %dma_start3A_39 = tpu.memref_slice %arg11[%dma_start3A_37, %dma_start3A_38] : memref<10112x128xf32, #tpu.memory_space<vmem_shared>> -> memref<10112x128xf32, #tpu.memory_space<vmem_shared>>
      tpu.enqueue_indirect_dma source(%arg9 : memref<128x128xf32, #tpu.memory_space<vmem>>) target(%dma_start3A_39 : memref<10112x128xf32, #tpu.memory_space<vmem_shared>>) offsets(%dma_start3A_36 : memref<128xi32, #tpu.memory_space<vmem>>) semaphore(%arg14 : memref<!tpu.dma_semaphore, #tpu.memory_space<semaphore_mem>>) {add = true}
      %dma_wait3A_40 = arith.constant 0 : i32
      %dma_wait3A_41 = arith.constant 0 : i32
      %dma_wait3A_42 = tpu.memref_slice %arg8[%dma_wait3A_40, %dma_wait3A_41] : memref<8x128xi32, #tpu.memory_space<vmem>> -> memref<1x128xi32, #tpu.memory_space<vmem>>
      %dma_wait3A_43 = tpu.memref_squeeze %dma_wait3A_42 : memref<1x128xi32, #tpu.memory_space<vmem>> -> memref<128xi32, #tpu.memory_space<vmem>>
      %dma_wait3A_44 = arith.constant 0 : i32
      %dma_wait3A_45 = arith.constant 0 : i32
      %dma_wait3A_46 = tpu.memref_slice %arg11[%dma_wait3A_44, %dma_wait3A_45] : memref<10112x128xf32, #tpu.memory_space<vmem_shared>> -> memref<10112x128xf32, #tpu.memory_space<vmem_shared>>
      tpu.wait_indirect_dma semaphore(%arg14 : memref<!tpu.dma_semaphore, #tpu.memory_space<semaphore_mem>>) src(%arg9 : memref<128x128xf32, #tpu.memory_space<vmem>>) dst(%dma_wait3A_46 : memref<10112x128xf32, #tpu.memory_space<vmem_shared>>)
      %dma_start3A_47 = arith.constant 2 : i32
      %dma_start3A_48 = arith.constant 0 : i32
      %dma_start3A_49 = tpu.memref_slice %arg7[%dma_start3A_47, %dma_start3A_48] : memref<8x128xi32, #tpu.memory_space<vmem>> -> memref<1x128xi32, #tpu.memory_space<vmem>>
      %dma_start3A_50 = tpu.memref_squeeze %dma_start3A_49 : memref<1x128xi32, #tpu.memory_space<vmem>> -> memref<128xi32, #tpu.memory_space<vmem>>
      %dma_start3A_51 = arith.constant 0 : i32
      %dma_start3A_52 = arith.constant 0 : i32
      %dma_start3A_53 = tpu.memref_slice %arg2[%dma_start3A_51, %dma_start3A_52] : memref<10000x128xf32, #tpu.memory_space<hbm>> -> memref<10000x128xf32, #tpu.memory_space<hbm>>
      tpu.enqueue_indirect_dma source(%dma_start3A_53 : memref<10000x128xf32, #tpu.memory_space<hbm>>) target(%arg9 : memref<128x128xf32, #tpu.memory_space<vmem>>) offsets(%dma_start3A_50 : memref<128xi32, #tpu.memory_space<vmem>>) semaphore(%arg12 : memref<!tpu.dma_semaphore, #tpu.memory_space<semaphore_mem>>)
      %dma_wait3A_54 = arith.constant 1 : i32
      %dma_wait3A_55 = arith.constant 0 : i32
      %dma_wait3A_56 = tpu.memref_slice %arg7[%dma_wait3A_54, %dma_wait3A_55] : memref<8x128xi32, #tpu.memory_space<vmem>> -> memref<1x128xi32, #tpu.memory_space<vmem>>
      %dma_wait3A_57 = tpu.memref_squeeze %dma_wait3A_56 : memref<1x128xi32, #tpu.memory_space<vmem>> -> memref<128xi32, #tpu.memory_space<vmem>>
      %dma_wait3A_58 = arith.constant 0 : i32
      %dma_wait3A_59 = arith.constant 0 : i32
      %dma_wait3A_60 = tpu.memref_slice %arg2[%dma_wait3A_58, %dma_wait3A_59] : memref<10000x128xf32, #tpu.memory_space<hbm>> -> memref<10000x128xf32, #tpu.memory_space<hbm>>
      tpu.wait_indirect_dma semaphore(%arg13 : memref<!tpu.dma_semaphore, #tpu.memory_space<semaphore_mem>>) src(%dma_wait3A_60 : memref<10000x128xf32, #tpu.memory_space<hbm>>) dst(%arg10 : memref<128x128xf32, #tpu.memory_space<vmem>>)
      %dma_start3A_61 = arith.constant 1 : i32
      %dma_start3A_62 = arith.constant 0 : i32
      %dma_start3A_63 = tpu.memref_slice %arg8[%dma_start3A_61, %dma_start3A_62] : memref<8x128xi32, #tpu.memory_space<vmem>> -> memref<1x128xi32, #tpu.memory_space<vmem>>
      %dma_start3A_64 = tpu.memref_squeeze %dma_start3A_63 : memref<1x128xi32, #tpu.memory_space<vmem>> -> memref<128xi32, #tpu.memory_space<vmem>>
      %dma_start3A_65 = arith.constant 0 : i32
      %dma_start3A_66 = arith.constant 0 : i32
      %dma_start3A_67 = tpu.memref_slice %arg11[%dma_start3A_65, %dma_start3A_66] : memref<10112x128xf32, #tpu.memory_space<vmem_shared>> -> memref<10112x128xf32, #tpu.memory_space<vmem_shared>>
      tpu.enqueue_indirect_dma source(%arg10 : memref<128x128xf32, #tpu.memory_space<vmem>>) target(%dma_start3A_67 : memref<10112x128xf32, #tpu.memory_space<vmem_shared>>) offsets(%dma_start3A_64 : memref<128xi32, #tpu.memory_space<vmem>>) semaphore(%arg15 : memref<!tpu.dma_semaphore, #tpu.memory_space<semaphore_mem>>) {add = true}
      %dma_wait3A_68 = arith.constant 1 : i32
      %dma_wait3A_69 = arith.constant 0 : i32
      %dma_wait3A_70 = tpu.memref_slice %arg8[%dma_wait3A_68, %dma_wait3A_69] : memref<8x128xi32, #tpu.memory_space<vmem>> -> memref<1x128xi32, #tpu.memory_space<vmem>>
      %dma_wait3A_71 = tpu.memref_squeeze %dma_wait3A_70 : memref<1x128xi32, #tpu.memory_space<vmem>> -> memref<128xi32, #tpu.memory_space<vmem>>
      %dma_wait3A_72 = arith.constant 0 : i32
      %dma_wait3A_73 = arith.constant 0 : i32
      %dma_wait3A_74 = tpu.memref_slice %arg11[%dma_wait3A_72, %dma_wait3A_73] : memref<10112x128xf32, #tpu.memory_space<vmem_shared>> -> memref<10112x128xf32, #tpu.memory_space<vmem_shared>>
      tpu.wait_indirect_dma semaphore(%arg15 : memref<!tpu.dma_semaphore, #tpu.memory_space<semaphore_mem>>) src(%arg10 : memref<128x128xf32, #tpu.memory_space<vmem>>) dst(%dma_wait3A_74 : memref<10112x128xf32, #tpu.memory_space<vmem_shared>>)
      %dma_start3A_75 = arith.constant 3 : i32
      %dma_start3A_76 = arith.constant 0 : i32
      %dma_start3A_77 = tpu.memref_slice %arg7[%dma_start3A_75, %dma_start3A_76] : memref<8x128xi32, #tpu.memory_space<vmem>> -> memref<1x128xi32, #tpu.memory_space<vmem>>
      %dma_start3A_78 = tpu.memref_squeeze %dma_start3A_77 : memref<1x128xi32, #tpu.memory_space<vmem>> -> memref<128xi32, #tpu.memory_space<vmem>>
      %dma_start3A_79 = arith.constant 0 : i32
      %dma_start3A_80 = arith.constant 0 : i32
      %dma_start3A_81 = tpu.memref_slice %arg2[%dma_start3A_79, %dma_start3A_80] : memref<10000x128xf32, #tpu.memory_space<hbm>> -> memref<10000x128xf32, #tpu.memory_space<hbm>>
      tpu.enqueue_indirect_dma source(%dma_start3A_81 : memref<10000x128xf32, #tpu.memory_space<hbm>>) target(%arg10 : memref<128x128xf32, #tpu.memory_space<vmem>>) offsets(%dma_start3A_78 : memref<128xi32, #tpu.memory_space<vmem>>) semaphore(%arg13 : memref<!tpu.dma_semaphore, #tpu.memory_space<semaphore_mem>>)
      %dma_wait3A_82 = arith.constant 2 : i32
      %dma_wait3A_83 = arith.constant 0 : i32
      %dma_wait3A_84 = tpu.memref_slice %arg7[%dma_wait3A_82, %dma_wait3A_83] : memref<8x128xi32, #tpu.memory_space<vmem>> -> memref<1x128xi32, #tpu.memory_space<vmem>>
      %dma_wait3A_85 = tpu.memref_squeeze %dma_wait3A_84 : memref<1x128xi32, #tpu.memory_space<vmem>> -> memref<128xi32, #tpu.memory_space<vmem>>
      %dma_wait3A_86 = arith.constant 0 : i32
      %dma_wait3A_87 = arith.constant 0 : i32
      %dma_wait3A_88 = tpu.memref_slice %arg2[%dma_wait3A_86, %dma_wait3A_87] : memref<10000x128xf32, #tpu.memory_space<hbm>> -> memref<10000x128xf32, #tpu.memory_space<hbm>>
      tpu.wait_indirect_dma semaphore(%arg12 : memref<!tpu.dma_semaphore, #tpu.memory_space<semaphore_mem>>) src(%dma_wait3A_88 : memref<10000x128xf32, #tpu.memory_space<hbm>>) dst(%arg9 : memref<128x128xf32, #tpu.memory_space<vmem>>)
      %dma_start3A_89 = arith.constant 2 : i32
      %dma_start3A_90 = arith.constant 0 : i32
      %dma_start3A_91 = tpu.memref_slice %arg8[%dma_start3A_89, %dma_start3A_90] : memref<8x128xi32, #tpu.memory_space<vmem>> -> memref<1x128xi32, #tpu.memory_space<vmem>>
      %dma_start3A_92 = tpu.memref_squeeze %dma_start3A_91 : memref<1x128xi32, #tpu.memory_space<vmem>> -> memref<128xi32, #tpu.memory_space<vmem>>
      %dma_start3A_93 = arith.constant 0 : i32
      %dma_start3A_94 = arith.constant 0 : i32
      %dma_start3A_95 = tpu.memref_slice %arg11[%dma_start3A_93, %dma_start3A_94] : memref<10112x128xf32, #tpu.memory_space<vmem_shared>> -> memref<10112x128xf32, #tpu.memory_space<vmem_shared>>
      tpu.enqueue_indirect_dma source(%arg9 : memref<128x128xf32, #tpu.memory_space<vmem>>) target(%dma_start3A_95 : memref<10112x128xf32, #tpu.memory_space<vmem_shared>>) offsets(%dma_start3A_92 : memref<128xi32, #tpu.memory_space<vmem>>) semaphore(%arg14 : memref<!tpu.dma_semaphore, #tpu.memory_space<semaphore_mem>>) {add = true}
      %dma_wait3A_96 = arith.constant 2 : i32
      %dma_wait3A_97 = arith.constant 0 : i32
      %dma_wait3A_98 = tpu.memref_slice %arg8[%dma_wait3A_96, %dma_wait3A_97] : memref<8x128xi32, #tpu.memory_space<vmem>> -> memref<1x128xi32, #tpu.memory_space<vmem>>
      %dma_wait3A_99 = tpu.memref_squeeze %dma_wait3A_98 : memref<1x128xi32, #tpu.memory_space<vmem>> -> memref<128xi32, #tpu.memory_space<vmem>>
      %dma_wait3A_100 = arith.constant 0 : i32
      %dma_wait3A_101 = arith.constant 0 : i32
      %dma_wait3A_102 = tpu.memref_slice %arg11[%dma_wait3A_100, %dma_wait3A_101] : memref<10112x128xf32, #tpu.memory_space<vmem_shared>> -> memref<10112x128xf32, #tpu.memory_space<vmem_shared>>
      tpu.wait_indirect_dma semaphore(%arg14 : memref<!tpu.dma_semaphore, #tpu.memory_space<semaphore_mem>>) src(%arg9 : memref<128x128xf32, #tpu.memory_space<vmem>>) dst(%dma_wait3A_102 : memref<10112x128xf32, #tpu.memory_space<vmem_shared>>)
      %dma_start3A_103 = arith.constant 4 : i32
      %dma_start3A_104 = arith.constant 0 : i32
      %dma_start3A_105 = tpu.memref_slice %arg7[%dma_start3A_103, %dma_start3A_104] : memref<8x128xi32, #tpu.memory_space<vmem>> -> memref<1x128xi32, #tpu.memory_space<vmem>>
      %dma_start3A_106 = tpu.memref_squeeze %dma_start3A_105 : memref<1x128xi32, #tpu.memory_space<vmem>> -> memref<128xi32, #tpu.memory_space<vmem>>
      %dma_start3A_107 = arith.constant 0 : i32
      %dma_start3A_108 = arith.constant 0 : i32
      %dma_start3A_109 = tpu.memref_slice %arg2[%dma_start3A_107, %dma_start3A_108] : memref<10000x128xf32, #tpu.memory_space<hbm>> -> memref<10000x128xf32, #tpu.memory_space<hbm>>
      tpu.enqueue_indirect_dma source(%dma_start3A_109 : memref<10000x128xf32, #tpu.memory_space<hbm>>) target(%arg9 : memref<128x128xf32, #tpu.memory_space<vmem>>) offsets(%dma_start3A_106 : memref<128xi32, #tpu.memory_space<vmem>>) semaphore(%arg12 : memref<!tpu.dma_semaphore, #tpu.memory_space<semaphore_mem>>)
      %dma_wait3A_110 = arith.constant 3 : i32
      %dma_wait3A_111 = arith.constant 0 : i32
      %dma_wait3A_112 = tpu.memref_slice %arg7[%dma_wait3A_110, %dma_wait3A_111] : memref<8x128xi32, #tpu.memory_space<vmem>> -> memref<1x128xi32, #tpu.memory_space<vmem>>
      %dma_wait3A_113 = tpu.memref_squeeze %dma_wait3A_112 : memref<1x128xi32, #tpu.memory_space<vmem>> -> memref<128xi32, #tpu.memory_space<vmem>>
      %dma_wait3A_114 = arith.constant 0 : i32
      %dma_wait3A_115 = arith.constant 0 : i32
      %dma_wait3A_116 = tpu.memref_slice %arg2[%dma_wait3A_114, %dma_wait3A_115] : memref<10000x128xf32, #tpu.memory_space<hbm>> -> memref<10000x128xf32, #tpu.memory_space<hbm>>
      tpu.wait_indirect_dma semaphore(%arg13 : memref<!tpu.dma_semaphore, #tpu.memory_space<semaphore_mem>>) src(%dma_wait3A_116 : memref<10000x128xf32, #tpu.memory_space<hbm>>) dst(%arg10 : memref<128x128xf32, #tpu.memory_space<vmem>>)
      %dma_start3A_117 = arith.constant 3 : i32
      %dma_start3A_118 = arith.constant 0 : i32
      %dma_start3A_119 = tpu.memref_slice %arg8[%dma_start3A_117, %dma_start3A_118] : memref<8x128xi32, #tpu.memory_space<vmem>> -> memref<1x128xi32, #tpu.memory_space<vmem>>
      %dma_start3A_120 = tpu.memref_squeeze %dma_start3A_119 : memref<1x128xi32, #tpu.memory_space<vmem>> -> memref<128xi32, #tpu.memory_space<vmem>>
      %dma_start3A_121 = arith.constant 0 : i32
      %dma_start3A_122 = arith.constant 0 : i32
      %dma_start3A_123 = tpu.memref_slice %arg11[%dma_start3A_121, %dma_start3A_122] : memref<10112x128xf32, #tpu.memory_space<vmem_shared>> -> memref<10112x128xf32, #tpu.memory_space<vmem_shared>>
      tpu.enqueue_indirect_dma source(%arg10 : memref<128x128xf32, #tpu.memory_space<vmem>>) target(%dma_start3A_123 : memref<10112x128xf32, #tpu.memory_space<vmem_shared>>) offsets(%dma_start3A_120 : memref<128xi32, #tpu.memory_space<vmem>>) semaphore(%arg15 : memref<!tpu.dma_semaphore, #tpu.memory_space<semaphore_mem>>) {add = true}
      %dma_wait3A_124 = arith.constant 3 : i32
      %dma_wait3A_125 = arith.constant 0 : i32
      %dma_wait3A_126 = tpu.memref_slice %arg8[%dma_wait3A_124, %dma_wait3A_125] : memref<8x128xi32, #tpu.memory_space<vmem>> -> memref<1x128xi32, #tpu.memory_space<vmem>>
      %dma_wait3A_127 = tpu.memref_squeeze %dma_wait3A_126 : memref<1x128xi32, #tpu.memory_space<vmem>> -> memref<128xi32, #tpu.memory_space<vmem>>
      %dma_wait3A_128 = arith.constant 0 : i32
      %dma_wait3A_129 = arith.constant 0 : i32
      %dma_wait3A_130 = tpu.memref_slice %arg11[%dma_wait3A_128, %dma_wait3A_129] : memref<10112x128xf32, #tpu.memory_space<vmem_shared>> -> memref<10112x128xf32, #tpu.memory_space<vmem_shared>>
      tpu.wait_indirect_dma semaphore(%arg15 : memref<!tpu.dma_semaphore, #tpu.memory_space<semaphore_mem>>) src(%arg10 : memref<128x128xf32, #tpu.memory_space<vmem>>) dst(%dma_wait3A_130 : memref<10112x128xf32, #tpu.memory_space<vmem_shared>>)
      %dma_start3A_131 = arith.constant 5 : i32
      %dma_start3A_132 = arith.constant 0 : i32
      %dma_start3A_133 = tpu.memref_slice %arg7[%dma_start3A_131, %dma_start3A_132] : memref<8x128xi32, #tpu.memory_space<vmem>> -> memref<1x128xi32, #tpu.memory_space<vmem>>
      %dma_start3A_134 = tpu.memref_squeeze %dma_start3A_133 : memref<1x128xi32, #tpu.memory_space<vmem>> -> memref<128xi32, #tpu.memory_space<vmem>>
      %dma_start3A_135 = arith.constant 0 : i32
      %dma_start3A_136 = arith.constant 0 : i32
      %dma_start3A_137 = tpu.memref_slice %arg2[%dma_start3A_135, %dma_start3A_136] : memref<10000x128xf32, #tpu.memory_space<hbm>> -> memref<10000x128xf32, #tpu.memory_space<hbm>>
      tpu.enqueue_indirect_dma source(%dma_start3A_137 : memref<10000x128xf32, #tpu.memory_space<hbm>>) target(%arg10 : memref<128x128xf32, #tpu.memory_space<vmem>>) offsets(%dma_start3A_134 : memref<128xi32, #tpu.memory_space<vmem>>) semaphore(%arg13 : memref<!tpu.dma_semaphore, #tpu.memory_space<semaphore_mem>>)
      %dma_wait3A_138 = arith.constant 4 : i32
      %dma_wait3A_139 = arith.constant 0 : i32
      %dma_wait3A_140 = tpu.memref_slice %arg7[%dma_wait3A_138, %dma_wait3A_139] : memref<8x128xi32, #tpu.memory_space<vmem>> -> memref<1x128xi32, #tpu.memory_space<vmem>>
      %dma_wait3A_141 = tpu.memref_squeeze %dma_wait3A_140 : memref<1x128xi32, #tpu.memory_space<vmem>> -> memref<128xi32, #tpu.memory_space<vmem>>
      %dma_wait3A_142 = arith.constant 0 : i32
      %dma_wait3A_143 = arith.constant 0 : i32
      %dma_wait3A_144 = tpu.memref_slice %arg2[%dma_wait3A_142, %dma_wait3A_143] : memref<10000x128xf32, #tpu.memory_space<hbm>> -> memref<10000x128xf32, #tpu.memory_space<hbm>>
      tpu.wait_indirect_dma semaphore(%arg12 : memref<!tpu.dma_semaphore, #tpu.memory_space<semaphore_mem>>) src(%dma_wait3A_144 : memref<10000x128xf32, #tpu.memory_space<hbm>>) dst(%arg9 : memref<128x128xf32, #tpu.memory_space<vmem>>)
      %dma_start3A_145 = arith.constant 4 : i32
      %dma_start3A_146 = arith.constant 0 : i32
      %dma_start3A_147 = tpu.memref_slice %arg8[%dma_start3A_145, %dma_start3A_146] : memref<8x128xi32, #tpu.memory_space<vmem>> -> memref<1x128xi32, #tpu.memory_space<vmem>>
      %dma_start3A_148 = tpu.memref_squeeze %dma_start3A_147 : memref<1x128xi32, #tpu.memory_space<vmem>> -> memref<128xi32, #tpu.memory_space<vmem>>
      %dma_start3A_149 = arith.constant 0 : i32
      %dma_start3A_150 = arith.constant 0 : i32
      %dma_start3A_151 = tpu.memref_slice %arg11[%dma_start3A_149, %dma_start3A_150] : memref<10112x128xf32, #tpu.memory_space<vmem_shared>> -> memref<10112x128xf32, #tpu.memory_space<vmem_shared>>
      tpu.enqueue_indirect_dma source(%arg9 : memref<128x128xf32, #tpu.memory_space<vmem>>) target(%dma_start3A_151 : memref<10112x128xf32, #tpu.memory_space<vmem_shared>>) offsets(%dma_start3A_148 : memref<128xi32, #tpu.memory_space<vmem>>) semaphore(%arg14 : memref<!tpu.dma_semaphore, #tpu.memory_space<semaphore_mem>>) {add = true}
      %dma_wait3A_152 = arith.constant 4 : i32
      %dma_wait3A_153 = arith.constant 0 : i32
      %dma_wait3A_154 = tpu.memref_slice %arg8[%dma_wait3A_152, %dma_wait3A_153] : memref<8x128xi32, #tpu.memory_space<vmem>> -> memref<1x128xi32, #tpu.memory_space<vmem>>
      %dma_wait3A_155 = tpu.memref_squeeze %dma_wait3A_154 : memref<1x128xi32, #tpu.memory_space<vmem>> -> memref<128xi32, #tpu.memory_space<vmem>>
      %dma_wait3A_156 = arith.constant 0 : i32
      %dma_wait3A_157 = arith.constant 0 : i32
      %dma_wait3A_158 = tpu.memref_slice %arg11[%dma_wait3A_156, %dma_wait3A_157] : memref<10112x128xf32, #tpu.memory_space<vmem_shared>> -> memref<10112x128xf32, #tpu.memory_space<vmem_shared>>
      tpu.wait_indirect_dma semaphore(%arg14 : memref<!tpu.dma_semaphore, #tpu.memory_space<semaphore_mem>>) src(%arg9 : memref<128x128xf32, #tpu.memory_space<vmem>>) dst(%dma_wait3A_158 : memref<10112x128xf32, #tpu.memory_space<vmem_shared>>)
      %dma_start3A_159 = arith.constant 6 : i32
      %dma_start3A_160 = arith.constant 0 : i32
      %dma_start3A_161 = tpu.memref_slice %arg7[%dma_start3A_159, %dma_start3A_160] : memref<8x128xi32, #tpu.memory_space<vmem>> -> memref<1x128xi32, #tpu.memory_space<vmem>>
      %dma_start3A_162 = tpu.memref_squeeze %dma_start3A_161 : memref<1x128xi32, #tpu.memory_space<vmem>> -> memref<128xi32, #tpu.memory_space<vmem>>
      %dma_start3A_163 = arith.constant 0 : i32
      %dma_start3A_164 = arith.constant 0 : i32
      %dma_start3A_165 = tpu.memref_slice %arg2[%dma_start3A_163, %dma_start3A_164] : memref<10000x128xf32, #tpu.memory_space<hbm>> -> memref<10000x128xf32, #tpu.memory_space<hbm>>
      tpu.enqueue_indirect_dma source(%dma_start3A_165 : memref<10000x128xf32, #tpu.memory_space<hbm>>) target(%arg9 : memref<128x128xf32, #tpu.memory_space<vmem>>) offsets(%dma_start3A_162 : memref<128xi32, #tpu.memory_space<vmem>>) semaphore(%arg12 : memref<!tpu.dma_semaphore, #tpu.memory_space<semaphore_mem>>)
      %dma_wait3A_166 = arith.constant 5 : i32
      %dma_wait3A_167 = arith.constant 0 : i32
      %dma_wait3A_168 = tpu.memref_slice %arg7[%dma_wait3A_166, %dma_wait3A_167] : memref<8x128xi32, #tpu.memory_space<vmem>> -> memref<1x128xi32, #tpu.memory_space<vmem>>
      %dma_wait3A_169 = tpu.memref_squeeze %dma_wait3A_168 : memref<1x128xi32, #tpu.memory_space<vmem>> -> memref<128xi32, #tpu.memory_space<vmem>>
      %dma_wait3A_170 = arith.constant 0 : i32
      %dma_wait3A_171 = arith.constant 0 : i32
      %dma_wait3A_172 = tpu.memref_slice %arg2[%dma_wait3A_170, %dma_wait3A_171] : memref<10000x128xf32, #tpu.memory_space<hbm>> -> memref<10000x128xf32, #tpu.memory_space<hbm>>
      tpu.wait_indirect_dma semaphore(%arg13 : memref<!tpu.dma_semaphore, #tpu.memory_space<semaphore_mem>>) src(%dma_wait3A_172 : memref<10000x128xf32, #tpu.memory_space<hbm>>) dst(%arg10 : memref<128x128xf32, #tpu.memory_space<vmem>>)
      %dma_start3A_173 = arith.constant 5 : i32
      %dma_start3A_174 = arith.constant 0 : i32
      %dma_start3A_175 = tpu.memref_slice %arg8[%dma_start3A_173, %dma_start3A_174] : memref<8x128xi32, #tpu.memory_space<vmem>> -> memref<1x128xi32, #tpu.memory_space<vmem>>
      %dma_start3A_176 = tpu.memref_squeeze %dma_start3A_175 : memref<1x128xi32, #tpu.memory_space<vmem>> -> memref<128xi32, #tpu.memory_space<vmem>>
      %dma_start3A_177 = arith.constant 0 : i32
      %dma_start3A_178 = arith.constant 0 : i32
      %dma_start3A_179 = tpu.memref_slice %arg11[%dma_start3A_177, %dma_start3A_178] : memref<10112x128xf32, #tpu.memory_space<vmem_shared>> -> memref<10112x128xf32, #tpu.memory_space<vmem_shared>>
      tpu.enqueue_indirect_dma source(%arg10 : memref<128x128xf32, #tpu.memory_space<vmem>>) target(%dma_start3A_179 : memref<10112x128xf32, #tpu.memory_space<vmem_shared>>) offsets(%dma_start3A_176 : memref<128xi32, #tpu.memory_space<vmem>>) semaphore(%arg15 : memref<!tpu.dma_semaphore, #tpu.memory_space<semaphore_mem>>) {add = true}
      %dma_wait3A_180 = arith.constant 5 : i32
      %dma_wait3A_181 = arith.constant 0 : i32
      %dma_wait3A_182 = tpu.memref_slice %arg8[%dma_wait3A_180, %dma_wait3A_181] : memref<8x128xi32, #tpu.memory_space<vmem>> -> memref<1x128xi32, #tpu.memory_space<vmem>>
      %dma_wait3A_183 = tpu.memref_squeeze %dma_wait3A_182 : memref<1x128xi32, #tpu.memory_space<vmem>> -> memref<128xi32, #tpu.memory_space<vmem>>
      %dma_wait3A_184 = arith.constant 0 : i32
      %dma_wait3A_185 = arith.constant 0 : i32
      %dma_wait3A_186 = tpu.memref_slice %arg11[%dma_wait3A_184, %dma_wait3A_185] : memref<10112x128xf32, #tpu.memory_space<vmem_shared>> -> memref<10112x128xf32, #tpu.memory_space<vmem_shared>>
      tpu.wait_indirect_dma semaphore(%arg15 : memref<!tpu.dma_semaphore, #tpu.memory_space<semaphore_mem>>) src(%arg10 : memref<128x128xf32, #tpu.memory_space<vmem>>) dst(%dma_wait3A_186 : memref<10112x128xf32, #tpu.memory_space<vmem_shared>>)
      %dma_start3A_187 = arith.constant 7 : i32
      %dma_start3A_188 = arith.constant 0 : i32
      %dma_start3A_189 = tpu.memref_slice %arg7[%dma_start3A_187, %dma_start3A_188] : memref<8x128xi32, #tpu.memory_space<vmem>> -> memref<1x128xi32, #tpu.memory_space<vmem>>
      %dma_start3A_190 = tpu.memref_squeeze %dma_start3A_189 : memref<1x128xi32, #tpu.memory_space<vmem>> -> memref<128xi32, #tpu.memory_space<vmem>>
      %dma_start3A_191 = arith.constant 0 : i32
      %dma_start3A_192 = arith.constant 0 : i32
      %dma_start3A_193 = tpu.memref_slice %arg2[%dma_start3A_191, %dma_start3A_192] : memref<10000x128xf32, #tpu.memory_space<hbm>> -> memref<10000x128xf32, #tpu.memory_space<hbm>>
      tpu.enqueue_indirect_dma source(%dma_start3A_193 : memref<10000x128xf32, #tpu.memory_space<hbm>>) target(%arg10 : memref<128x128xf32, #tpu.memory_space<vmem>>) offsets(%dma_start3A_190 : memref<128xi32, #tpu.memory_space<vmem>>) semaphore(%arg13 : memref<!tpu.dma_semaphore, #tpu.memory_space<semaphore_mem>>)
      %dma_wait3A_194 = arith.constant 6 : i32
      %dma_wait3A_195 = arith.constant 0 : i32
      %dma_wait3A_196 = tpu.memref_slice %arg7[%dma_wait3A_194, %dma_wait3A_195] : memref<8x128xi32, #tpu.memory_space<vmem>> -> memref<1x128xi32, #tpu.memory_space<vmem>>
      %dma_wait3A_197 = tpu.memref_squeeze %dma_wait3A_196 : memref<1x128xi32, #tpu.memory_space<vmem>> -> memref<128xi32, #tpu.memory_space<vmem>>
      %dma_wait3A_198 = arith.constant 0 : i32
      %dma_wait3A_199 = arith.constant 0 : i32
      %dma_wait3A_200 = tpu.memref_slice %arg2[%dma_wait3A_198, %dma_wait3A_199] : memref<10000x128xf32, #tpu.memory_space<hbm>> -> memref<10000x128xf32, #tpu.memory_space<hbm>>
      tpu.wait_indirect_dma semaphore(%arg12 : memref<!tpu.dma_semaphore, #tpu.memory_space<semaphore_mem>>) src(%dma_wait3A_200 : memref<10000x128xf32, #tpu.memory_space<hbm>>) dst(%arg9 : memref<128x128xf32, #tpu.memory_space<vmem>>)
      %dma_start3A_201 = arith.constant 6 : i32
      %dma_start3A_202 = arith.constant 0 : i32
      %dma_start3A_203 = tpu.memref_slice %arg8[%dma_start3A_201, %dma_start3A_202] : memref<8x128xi32, #tpu.memory_space<vmem>> -> memref<1x128xi32, #tpu.memory_space<vmem>>
      %dma_start3A_204 = tpu.memref_squeeze %dma_start3A_203 : memref<1x128xi32, #tpu.memory_space<vmem>> -> memref<128xi32, #tpu.memory_space<vmem>>
      %dma_start3A_205 = arith.constant 0 : i32
      %dma_start3A_206 = arith.constant 0 : i32
      %dma_start3A_207 = tpu.memref_slice %arg11[%dma_start3A_205, %dma_start3A_206] : memref<10112x128xf32, #tpu.memory_space<vmem_shared>> -> memref<10112x128xf32, #tpu.memory_space<vmem_shared>>
      tpu.enqueue_indirect_dma source(%arg9 : memref<128x128xf32, #tpu.memory_space<vmem>>) target(%dma_start3A_207 : memref<10112x128xf32, #tpu.memory_space<vmem_shared>>) offsets(%dma_start3A_204 : memref<128xi32, #tpu.memory_space<vmem>>) semaphore(%arg14 : memref<!tpu.dma_semaphore, #tpu.memory_space<semaphore_mem>>) {add = true}
      %dma_wait3A_208 = arith.constant 7 : i32
      %dma_wait3A_209 = arith.constant 0 : i32
      %dma_wait3A_210 = tpu.memref_slice %arg7[%dma_wait3A_208, %dma_wait3A_209] : memref<8x128xi32, #tpu.memory_space<vmem>> -> memref<1x128xi32, #tpu.memory_space<vmem>>
      %dma_wait3A_211 = tpu.memref_squeeze %dma_wait3A_210 : memref<1x128xi32, #tpu.memory_space<vmem>> -> memref<128xi32, #tpu.memory_space<vmem>>
      %dma_wait3A_212 = arith.constant 0 : i32
      %dma_wait3A_213 = arith.constant 0 : i32
      %dma_wait3A_214 = tpu.memref_slice %arg2[%dma_wait3A_212, %dma_wait3A_213] : memref<10000x128xf32, #tpu.memory_space<hbm>> -> memref<10000x128xf32, #tpu.memory_space<hbm>>
      tpu.wait_indirect_dma semaphore(%arg13 : memref<!tpu.dma_semaphore, #tpu.memory_space<semaphore_mem>>) src(%dma_wait3A_214 : memref<10000x128xf32, #tpu.memory_space<hbm>>) dst(%arg10 : memref<128x128xf32, #tpu.memory_space<vmem>>)
      %dma_start3A_215 = arith.constant 7 : i32
      %dma_start3A_216 = arith.constant 0 : i32
      %dma_start3A_217 = tpu.memref_slice %arg8[%dma_start3A_215, %dma_start3A_216] : memref<8x128xi32, #tpu.memory_space<vmem>> -> memref<1x128xi32, #tpu.memory_space<vmem>>
      %dma_start3A_218 = tpu.memref_squeeze %dma_start3A_217 : memref<1x128xi32, #tpu.memory_space<vmem>> -> memref<128xi32, #tpu.memory_space<vmem>>
      %dma_start3A_219 = arith.constant 0 : i32
      %dma_start3A_220 = arith.constant 0 : i32
      %dma_start3A_221 = tpu.memref_slice %arg11[%dma_start3A_219, %dma_start3A_220] : memref<10112x128xf32, #tpu.memory_space<vmem_shared>> -> memref<10112x128xf32, #tpu.memory_space<vmem_shared>>
      tpu.enqueue_indirect_dma source(%arg10 : memref<128x128xf32, #tpu.memory_space<vmem>>) target(%dma_start3A_221 : memref<10112x128xf32, #tpu.memory_space<vmem_shared>>) offsets(%dma_start3A_218 : memref<128xi32, #tpu.memory_space<vmem>>) semaphore(%arg15 : memref<!tpu.dma_semaphore, #tpu.memory_space<semaphore_mem>>) {add = true}
      %dma_wait3A_222 = arith.constant 6 : i32
      %dma_wait3A_223 = arith.constant 0 : i32
      %dma_wait3A_224 = tpu.memref_slice %arg8[%dma_wait3A_222, %dma_wait3A_223] : memref<8x128xi32, #tpu.memory_space<vmem>> -> memref<1x128xi32, #tpu.memory_space<vmem>>
      %dma_wait3A_225 = tpu.memref_squeeze %dma_wait3A_224 : memref<1x128xi32, #tpu.memory_space<vmem>> -> memref<128xi32, #tpu.memory_space<vmem>>
      %dma_wait3A_226 = arith.constant 0 : i32
      %dma_wait3A_227 = arith.constant 0 : i32
      %dma_wait3A_228 = tpu.memref_slice %arg11[%dma_wait3A_226, %dma_wait3A_227] : memref<10112x128xf32, #tpu.memory_space<vmem_shared>> -> memref<10112x128xf32, #tpu.memory_space<vmem_shared>>
      tpu.wait_indirect_dma semaphore(%arg14 : memref<!tpu.dma_semaphore, #tpu.memory_space<semaphore_mem>>) src(%arg9 : memref<128x128xf32, #tpu.memory_space<vmem>>) dst(%dma_wait3A_228 : memref<10112x128xf32, #tpu.memory_space<vmem_shared>>)
      %dma_wait3A_229 = arith.constant 7 : i32
      %dma_wait3A_230 = arith.constant 0 : i32
      %dma_wait3A_231 = tpu.memref_slice %arg8[%dma_wait3A_229, %dma_wait3A_230] : memref<8x128xi32, #tpu.memory_space<vmem>> -> memref<1x128xi32, #tpu.memory_space<vmem>>
      %dma_wait3A_232 = tpu.memref_squeeze %dma_wait3A_231 : memref<1x128xi32, #tpu.memory_space<vmem>> -> memref<128xi32, #tpu.memory_space<vmem>>
      %dma_wait3A_233 = arith.constant 0 : i32
      %dma_wait3A_234 = arith.constant 0 : i32
      %dma_wait3A_235 = tpu.memref_slice %arg11[%dma_wait3A_233, %dma_wait3A_234] : memref<10112x128xf32, #tpu.memory_space<vmem_shared>> -> memref<10112x128xf32, #tpu.memory_space<vmem_shared>>
      tpu.wait_indirect_dma semaphore(%arg15 : memref<!tpu.dma_semaphore, #tpu.memory_space<semaphore_mem>>) src(%arg10 : memref<128x128xf32, #tpu.memory_space<vmem>>) dst(%dma_wait3A_235 : memref<10112x128xf32, #tpu.memory_space<vmem_shared>>)
    }
    %scan3A_7 = arith.constant 10 : i32
    %barrier3A_8 = arith.constant 0 : index
    tpu.barrier barrier_id(%barrier3A_8)
    "tpu.region"() ({
      %run_scoped3A = tpu.sem_alloc : memref<!tpu.dma_semaphore, #tpu.memory_space<semaphore_mem>>
      %dma_start3A = arith.constant 0 : i32
      %dma_start3A_9 = tpu.memref_slice %arg6[%arg0, %mul3A_2, %dma_start3A] : memref<2x10112x128xf32, #tpu.memory_space<hbm>> -> memref<1x632x128xf32, #tpu.memory_space<hbm>>
      %dma_start3A_10 = tpu.memref_squeeze %dma_start3A_9 : memref<1x632x128xf32, #tpu.memory_space<hbm>> -> memref<632x128xf32, #tpu.memory_space<hbm>>
      %dma_start3A_11 = arith.constant 0 : i32
      %dma_start3A_12 = tpu.memref_slice %arg11[%mul3A_2, %dma_start3A_11] : memref<10112x128xf32, #tpu.memory_space<vmem_shared>> -> memref<632x128xf32, #tpu.memory_space<vmem_shared>>
      tpu.enqueue_dma source(%dma_start3A_12 : memref<632x128xf32, #tpu.memory_space<vmem_shared>>) target(%dma_start3A_10 : memref<632x128xf32, #tpu.memory_space<hbm>>) target_semaphore(%run_scoped3A : memref<!tpu.dma_semaphore, #tpu.memory_space<semaphore_mem>>)
      %dma_wait3A = arith.constant 0 : i32
      %dma_wait3A_13 = tpu.memref_slice %arg6[%arg0, %mul3A_2, %dma_wait3A] : memref<2x10112x128xf32, #tpu.memory_space<hbm>> -> memref<1x632x128xf32, #tpu.memory_space<hbm>>
      %dma_wait3A_14 = tpu.memref_squeeze %dma_wait3A_13 : memref<1x632x128xf32, #tpu.memory_space<hbm>> -> memref<632x128xf32, #tpu.memory_space<hbm>>
      %dma_wait3A_15 = arith.constant 0 : i32
      %dma_wait3A_16 = tpu.memref_slice %arg11[%mul3A_2, %dma_wait3A_15] : memref<10112x128xf32, #tpu.memory_space<vmem_shared>> -> memref<632x128xf32, #tpu.memory_space<vmem_shared>>
      tpu.wait_dma2 semaphore(%run_scoped3A : memref<!tpu.dma_semaphore, #tpu.memory_space<semaphore_mem>>) src(%dma_wait3A_16 : memref<632x128xf32, #tpu.memory_space<vmem_shared>>) dst(%dma_wait3A_14 : memref<632x128xf32, #tpu.memory_space<hbm>>)
      tpu.yield
    }) : () -> ()
    return
  }
}

module attributes {stable_mosaic.version = 14 : i64} {
  func.func @_mm_body(%arg0: i32, %arg1: memref<1000x128xf32, #tpu.memory_space<vmem>>, %arg2: memref<128x128xf32, #tpu.memory_space<vmem>>, %arg3: memref<1000x128xf32, #tpu.memory_space<vmem>>) attributes {dimension_semantics = [#tpu.dimension_semantics<arbitrary>], iteration_bounds = array<i64: 10>, scalar_prefetch = 0 : i64, scratch_operands = 0 : i64, tpu.core_type = #tpu.core_type<tc>, window_params = [{transform_indices = @transform_0, window_bounds = array<i64: 1000, 128>}, {pipeline_mode = #tpu.pipeline_mode<synchronous>, transform_indices = @transform_1, window_bounds = array<i64: 128, 128>}, {transform_indices = @transform_2, window_bounds = array<i64: 1000, 128>}]} {
    %get3A = arith.constant 0 : index
    %get3A_0 = arith.constant 0 : index
    %get3A_1 = vector.load %arg1[%get3A, %get3A_0] : memref<1000x128xf32, #tpu.memory_space<vmem>>, vector<1000x128xf32>
    %get3A_2 = arith.constant 0 : index
    %get3A_3 = arith.constant 0 : index
    %get3A_4 = vector.load %arg2[%get3A_2, %get3A_3] : memref<128x128xf32, #tpu.memory_space<vmem>>, vector<128x128xf32>
    %dot_general3A = arith.constant dense<0.000000e+00> : vector<1000x128xf32>
    %dot_general3A_5 = tpu.matmul %get3A_1, %get3A_4, %dot_general3A {dimension_numbers = #tpu.dot_dimension_numbers<[1], [0], [0], [1], [0, 0, 1, 1], [], []>, transpose_lhs_hint = false} : vector<1000x128xf32>, vector<128x128xf32>, vector<1000x128xf32> -> vector<1000x128xf32>
    %swap3A = arith.constant 0 : index
    %swap3A_6 = arith.constant 0 : index
    %swap3A_7 = vector.load %arg3[%swap3A, %swap3A_6] : memref<1000x128xf32, #tpu.memory_space<vmem>>, vector<1000x128xf32>
    tpu.vector_store %arg3[%swap3A, %swap3A_6], %dot_general3A_5 {strides = array<i32>} : memref<1000x128xf32, #tpu.memory_space<vmem>>, vector<1000x128xf32>,
    return
  }
  func.func @transform_0(%arg0: i32) -> (i32, i32) {
    %c0_i32 = arith.constant 0 : i32
    %c0_i32_0 = arith.constant 0 : i32
    return %arg0, %c0_i32 : i32, i32
  }
  func.func @transform_1(%arg0: i32) -> (i32, i32) {
    %c0_i32 = arith.constant 0 : i32
    %c0_i32_0 = arith.constant 0 : i32
    %c0_i32_1 = arith.constant 0 : i32
    return %c0_i32, %c0_i32_0 : i32, i32
  }
  func.func @transform_2(%arg0: i32) -> (i32, i32) {
    %c0_i32 = arith.constant 0 : i32
    %c0_i32_0 = arith.constant 0 : i32
    return %arg0, %c0_i32 : i32, i32
  }
}

module attributes {stable_mosaic.version = 14 : i64} {
  func.func @_hist_body(%arg0: i32, %arg1: memref<1x1x4096xi32, #tpu.memory_space<vmem>>, %arg2: memref<1x4096x1xi32, #tpu.memory_space<vmem>>, %arg3: memref<80x128xf32, #tpu.memory_space<vmem>>) attributes {dimension_semantics = [#tpu.dimension_semantics<arbitrary>], iteration_bounds = array<i64: 80>, scalar_prefetch = 0 : i64, scratch_operands = 0 : i64, tpu.core_type = #tpu.core_type<tc>, window_params = [{transform_indices = @transform_0, window_bounds = array<i64: 1, 1, 4096>}, {transform_indices = @transform_1, window_bounds = array<i64: 1, 4096, 1>}, {pipeline_mode = #tpu.pipeline_mode<synchronous>, transform_indices = @transform_2, window_bounds = array<i64: 80, 128>}]} {
    %eq3A = arith.constant 0 : i32
    %eq3A_0 = arith.cmpi eq, %arg0, %eq3A : i32
    %convert_element_type3A = arith.extui %eq3A_0 : i1 to i32
    %cond3A = arith.constant 0 : i32
    %cond3A_1 = arith.cmpi ne, %convert_element_type3A, %cond3A : i32
    scf.if %cond3A_1 {
      %broadcast_in_dim3A = arith.constant 0.000000e+00 : f32
      %broadcast_in_dim3A_32 = vector.broadcast %broadcast_in_dim3A : f32 to vector<80x128xf32>
      %swap3A_33 = arith.constant 0 : index
      %swap3A_34 = arith.constant 0 : index
      %swap3A_35 = vector.load %arg3[%swap3A_33, %swap3A_34] : memref<80x128xf32, #tpu.memory_space<vmem>>, vector<80x128xf32>
      tpu.vector_store %arg3[%swap3A_33, %swap3A_34], %broadcast_in_dim3A_32 {strides = array<i32>} : memref<80x128xf32, #tpu.memory_space<vmem>>, vector<80x128xf32>,
    } else {
    }
    %get3A = arith.constant 0 : index
    %get3A_2 = arith.constant 0 : index
    %get3A_3 = arith.constant 0 : index
    %get3A_4 = vector.load %arg1[%get3A, %get3A_2, %get3A_3] : memref<1x1x4096xi32, #tpu.memory_space<vmem>>, vector<1x1x4096xi32>
    %get3A_5 = vector.shape_cast %get3A_4 : vector<1x1x4096xi32> to vector<1x4096xi32>
    %shift_right_logical3A = arith.constant 7 : i32
    %shift_right_logical3A_6 = vector.broadcast %shift_right_logical3A : i32 to vector<1x4096xi32>
    %shift_right_logical3A_7 = arith.shrui %get3A_5, %shift_right_logical3A_6 : vector<1x4096xi32>
    %get3A_8 = arith.constant 0 : index
    %get3A_9 = arith.constant 0 : index
    %get3A_10 = arith.constant 0 : index
    %get3A_11 = vector.load %arg2[%get3A_8, %get3A_9, %get3A_10] : memref<1x4096x1xi32, #tpu.memory_space<vmem>>, vector<1x4096x1xi32>
    %get3A_12 = vector.shape_cast %get3A_11 : vector<1x4096x1xi32> to vector<4096x1xi32>
    %and3A = arith.constant 127 : i32
    %and3A_13 = vector.broadcast %and3A : i32 to vector<4096x1xi32>
    %and3A_14 = arith.andi %get3A_12, %and3A_13 : vector<4096x1xi32>
    %iota3A = tpu.iota {dimensions = array<i32: 0>} : vector<80x4096xi32>
    %iota3A_15 = tpu.iota {dimensions = array<i32: 1>} : vector<4096x128xi32>
    %eq3A_16 = vector.broadcast %shift_right_logical3A_7 : vector<1x4096xi32> to vector<80x4096xi32>
    %eq3A_17 = arith.cmpi eq, %eq3A_16, %iota3A : vector<80x4096xi32>
    %convert_element_type3A_18 = arith.extui %eq3A_17 : vector<80x4096xi1> to vector<80x4096xi32>
    %convert_element_type3A_19 = arith.sitofp %convert_element_type3A_18 : vector<80x4096xi32> to vector<80x4096xf32>
    %convert_element_type3A_20 = arith.truncf %convert_element_type3A_19 : vector<80x4096xf32> to vector<80x4096xbf16>
    %eq3A_21 = vector.broadcast %and3A_14 : vector<4096x1xi32> to vector<4096x128xi32>
    %eq3A_22 = arith.cmpi eq, %eq3A_21, %iota3A_15 : vector<4096x128xi32>
    %convert_element_type3A_23 = arith.extui %eq3A_22 : vector<4096x128xi1> to vector<4096x128xi32>
    %convert_element_type3A_24 = arith.sitofp %convert_element_type3A_23 : vector<4096x128xi32> to vector<4096x128xf32>
    %convert_element_type3A_25 = arith.truncf %convert_element_type3A_24 : vector<4096x128xf32> to vector<4096x128xbf16>
    %get3A_26 = arith.constant 0 : index
    %get3A_27 = arith.constant 0 : index
    %get3A_28 = vector.load %arg3[%get3A_26, %get3A_27] : memref<80x128xf32, #tpu.memory_space<vmem>>, vector<80x128xf32>
    %dot_general3A = arith.constant dense<0.000000e+00> : vector<80x128xf32>
    %dot_general3A_29 = tpu.matmul %convert_element_type3A_20, %convert_element_type3A_25, %dot_general3A {dimension_numbers = #tpu.dot_dimension_numbers<[1], [0], [0], [1], [0, 0, 1, 1], [], []>, transpose_lhs_hint = false} : vector<80x4096xbf16>, vector<4096x128xbf16>, vector<80x128xf32> -> vector<80x128xf32>
    %add3A = arith.addf %get3A_28, %dot_general3A_29 : vector<80x128xf32>
    %swap3A = arith.constant 0 : index
    %swap3A_30 = arith.constant 0 : index
    %swap3A_31 = vector.load %arg3[%swap3A, %swap3A_30] : memref<80x128xf32, #tpu.memory_space<vmem>>, vector<80x128xf32>
    tpu.vector_store %arg3[%swap3A, %swap3A_30], %add3A {strides = array<i32>} : memref<80x128xf32, #tpu.memory_space<vmem>>, vector<80x128xf32>,
    return
  }
  func.func @transform_0(%arg0: i32) -> (i32, i32, i32) {
    %c0_i32 = arith.constant 0 : i32
    %c0_i32_0 = arith.constant 0 : i32
    %c0_i32_1 = arith.constant 0 : i32
    return %arg0, %c0_i32, %c0_i32_0 : i32, i32, i32
  }
  func.func @transform_1(%arg0: i32) -> (i32, i32, i32) {
    %c0_i32 = arith.constant 0 : i32
    %c0_i32_0 = arith.constant 0 : i32
    %c0_i32_1 = arith.constant 0 : i32
    return %arg0, %c0_i32, %c0_i32_0 : i32, i32, i32
  }
  func.func @transform_2(%arg0: i32) -> (i32, i32) {
    %c0_i32 = arith.constant 0 : i32
    %c0_i32_0 = arith.constant 0 : i32
    %c0_i32_1 = arith.constant 0 : i32
    return %c0_i32, %c0_i32_0 : i32, i32
  }
}

module attributes {stable_mosaic.version = 14 : i64} {
  func.func @_tc1_body(%arg0: i32, %arg1: memref<2x1000x128xf32, #tpu.memory_space<vmem>>, %arg2: memref<1000x1xf32, #tpu.memory_space<vmem>>, %arg3: memref<1000x128xf32, #tpu.memory_space<vmem>>, %arg4: memref<128x128xf32, #tpu.memory_space<vmem>>, %arg5: memref<1x128xf32, #tpu.memory_space<vmem>>, %arg6: memref<128x128xf32, #tpu.memory_space<vmem>>, %arg7: memref<1000x128xf32, #tpu.memory_space<vmem>>, %arg8: memref<1000x128xf32, #tpu.memory_space<vmem>>) attributes {dimension_semantics = [#tpu.dimension_semantics<arbitrary>], iteration_bounds = array<i64: 10>, scalar_prefetch = 0 : i64, scratch_operands = 0 : i64, tpu.core_type = #tpu.core_type<tc>, window_params = [{transform_indices = @transform_0, window_bounds = array<i64: 2, 1000, 128>}, {transform_indices = @transform_1, window_bounds = array<i64: 1000, 1>}, {transform_indices = @transform_2, window_bounds = array<i64: 1000, 128>}, {pipeline_mode = #tpu.pipeline_mode<synchronous>, transform_indices = @transform_3, window_bounds = array<i64: 128, 128>}, {pipeline_mode = #tpu.pipeline_mode<synchronous>, transform_indices = @transform_4, window_bounds = array<i64: 1, 128>}, {pipeline_mode = #tpu.pipeline_mode<synchronous>, transform_indices = @transform_5, window_bounds = array<i64: 128, 128>}, {transform_indices = @transform_6, window_bounds = array<i64: 1000, 128>}, {transform_indices = @transform_7, window_bounds = array<i64: 1000, 128>}]} {
    %get3A = arith.constant 0 : index
    %get3A_0 = arith.constant 0 : index
    %get3A_1 = arith.constant 0 : index
    %get3A_2 = vector.load %arg1[%get3A, %get3A_0, %get3A_1] : memref<2x1000x128xf32, #tpu.memory_space<vmem>>, vector<1x1000x128xf32>
    %get3A_3 = vector.shape_cast %get3A_2 : vector<1x1000x128xf32> to vector<1000x128xf32>
    %get3A_4 = arith.constant 1 : index
    %get3A_5 = arith.constant 0 : index
    %get3A_6 = arith.constant 0 : index
    %get3A_7 = vector.load %arg1[%get3A_4, %get3A_5, %get3A_6] : memref<2x1000x128xf32, #tpu.memory_space<vmem>>, vector<1x1000x128xf32>
    %get3A_8 = vector.shape_cast %get3A_7 : vector<1x1000x128xf32> to vector<1000x128xf32>
    %add3A = arith.addf %get3A_3, %get3A_8 : vector<1000x128xf32>
    %get3A_9 = arith.constant 0 : index
    %get3A_10 = arith.constant 0 : index
    %get3A_11 = vector.load %arg2[%get3A_9, %get3A_10] : memref<1000x1xf32, #tpu.memory_space<vmem>>, vector<1000x1xf32>
    %max3A = arith.constant 1.000000e+00 : f32
    %max3A_12 = vector.broadcast %max3A : f32 to vector<1000x1xf32>
    %max3A_13 = arith.maximumf %get3A_11, %max3A_12 : vector<1000x1xf32>
    %div3A = arith.constant 1.000000e+00 : f32
    %div3A_14 = vector.broadcast %div3A : f32 to vector<1000x1xf32>
    %div3A_15 = arith.divf %div3A_14, %max3A_13 : vector<1000x1xf32>
    %get3A_16 = arith.constant 0 : index
    %get3A_17 = arith.constant 0 : index
    %get3A_18 = vector.load %arg3[%get3A_16, %get3A_17] : memref<1000x128xf32, #tpu.memory_space<vmem>>, vector<1000x128xf32>
    %get3A_19 = arith.constant 0 : index
    %get3A_20 = arith.constant 0 : index
    %get3A_21 = vector.load %arg4[%get3A_19, %get3A_20] : memref<128x128xf32, #tpu.memory_space<vmem>>, vector<128x128xf32>
    %dot_general3A = arith.constant dense<0.000000e+00> : vector<1000x128xf32>
    %dot_general3A_22 = tpu.matmul %get3A_18, %get3A_21, %dot_general3A {dimension_numbers = #tpu.dot_dimension_numbers<[1], [0], [0], [1], [0, 0, 1, 1], [], []>, transpose_lhs_hint = false} : vector<1000x128xf32>, vector<128x128xf32>, vector<1000x128xf32> -> vector<1000x128xf32>
    %mul3A = vector.broadcast %div3A_15 : vector<1000x1xf32> to vector<1000x128xf32>
    %mul3A_23 = arith.mulf %add3A, %mul3A : vector<1000x128xf32>
    %add3A_24 = arith.addf %mul3A_23, %dot_general3A_22 : vector<1000x128xf32>
    %get3A_25 = arith.constant 0 : index
    %get3A_26 = arith.constant 0 : index
    %get3A_27 = vector.load %arg5[%get3A_25, %get3A_26] : memref<1x128xf32, #tpu.memory_space<vmem>>, vector<1x128xf32>
    %add3A_28 = vector.broadcast %get3A_27 : vector<1x128xf32> to vector<1000x128xf32>
    %add3A_29 = arith.addf %add3A_24, %add3A_28 : vector<1000x128xf32>
    %max3A_30 = arith.constant 0.000000e+00 : f32
    %max3A_31 = vector.broadcast %max3A_30 : f32 to vector<1000x128xf32>
    %max3A_32 = arith.maximumf %add3A_29, %max3A_31 : vector<1000x128xf32>
    %swap3A = arith.constant 0 : index
    %swap3A_33 = arith.constant 0 : index
    %swap3A_34 = vector.load %arg7[%swap3A, %swap3A_33] : memref<1000x128xf32, #tpu.memory_space<vmem>>, vector<1000x128xf32>
    tpu.vector_store %arg7[%swap3A, %swap3A_33], %max3A_32 {strides = array<i32>} : memref<1000x128xf32, #tpu.memory_space<vmem>>, vector<1000x128xf32>,
    %get3A_35 = arith.constant 0 : index
    %get3A_36 = arith.constant 0 : index
    %get3A_37 = vector.load %arg6[%get3A_35, %get3A_36] : memref<128x128xf32, #tpu.memory_space<vmem>>, vector<128x128xf32>
    %dot_general3A_38 = arith.constant dense<0.000000e+00> : vector<1000x128xf32>
    %dot_general3A_39 = tpu.matmul %max3A_32, %get3A_37, %dot_general3A_38 {dimension_numbers = #tpu.dot_dimension_numbers<[1], [0], [0], [1], [0, 0, 1, 1], [], []>, transpose_lhs_hint = false} : vector<1000x128xf32>, vector<128x128xf32>, vector<1000x128xf32> -> vector<1000x128xf32>
    %swap3A_40 = arith.constant 0 : index
    %swap3A_41 = arith.constant 0 : index
    %swap3A_42 = vector.load %arg8[%swap3A_40, %swap3A_41] : memref<1000x128xf32, #tpu.memory_space<vmem>>, vector<1000x128xf32>
    tpu.vector_store %arg8[%swap3A_40, %swap3A_41], %dot_general3A_39 {strides = array<i32>} : memref<1000x128xf32, #tpu.memory_space<vmem>>, vector<1000x128xf32>,
    return
  }
  func.func @transform_0(%arg0: i32) -> (i32, i32, i32) {
    %c0_i32 = arith.constant 0 : i32
    %c0_i32_0 = arith.constant 0 : i32
    %c0_i32_1 = arith.constant 0 : i32
    return %c0_i32, %arg0, %c0_i32_0 : i32, i32, i32
  }
  func.func @transform_1(%arg0: i32) -> (i32, i32) {
    %c0_i32 = arith.constant 0 : i32
    %c0_i32_0 = arith.constant 0 : i32
    return %arg0, %c0_i32 : i32, i32
  }
  func.func @transform_2(%arg0: i32) -> (i32, i32) {
    %c0_i32 = arith.constant 0 : i32
    %c0_i32_0 = arith.constant 0 : i32
    return %arg0, %c0_i32 : i32, i32
  }
  func.func @transform_3(%arg0: i32) -> (i32, i32) {
    %c0_i32 = arith.constant 0 : i32
    %c0_i32_0 = arith.constant 0 : i32
    %c0_i32_1 = arith.constant 0 : i32
    return %c0_i32, %c0_i32_0 : i32, i32
  }
  func.func @transform_4(%arg0: i32) -> (i32, i32) {
    %c0_i32 = arith.constant 0 : i32
    %c0_i32_0 = arith.constant 0 : i32
    %c0_i32_1 = arith.constant 0 : i32
    return %c0_i32, %c0_i32_0 : i32, i32
  }
  func.func @transform_5(%arg0: i32) -> (i32, i32) {
    %c0_i32 = arith.constant 0 : i32
    %c0_i32_0 = arith.constant 0 : i32
    %c0_i32_1 = arith.constant 0 : i32
    return %c0_i32, %c0_i32_0 : i32, i32
  }
  func.func @transform_6(%arg0: i32) -> (i32, i32) {
    %c0_i32 = arith.constant 0 : i32
    %c0_i32_0 = arith.constant 0 : i32
    return %arg0, %c0_i32 : i32, i32
  }
  func.func @transform_7(%arg0: i32) -> (i32, i32) {
    %c0_i32 = arith.constant 0 : i32
    %c0_i32_0 = arith.constant 0 : i32
    return %arg0, %c0_i32 : i32, i32
  }
}

module attributes {stable_mosaic.version = 14 : i64} {
  func.func @_tc2_body(%arg0: i32, %arg1: memref<2x1000x128xf32, #tpu.memory_space<vmem>>, %arg2: memref<1000x1xf32, #tpu.memory_space<vmem>>, %arg3: memref<1000x128xf32, #tpu.memory_space<vmem>>, %arg4: memref<128x128xf32, #tpu.memory_space<vmem>>, %arg5: memref<1x128xf32, #tpu.memory_space<vmem>>, %arg6: memref<1000x128xf32, #tpu.memory_space<vmem>>) attributes {dimension_semantics = [#tpu.dimension_semantics<arbitrary>], iteration_bounds = array<i64: 10>, scalar_prefetch = 0 : i64, scratch_operands = 0 : i64, tpu.core_type = #tpu.core_type<tc>, window_params = [{transform_indices = @transform_0, window_bounds = array<i64: 2, 1000, 128>}, {transform_indices = @transform_1, window_bounds = array<i64: 1000, 1>}, {transform_indices = @transform_2, window_bounds = array<i64: 1000, 128>}, {pipeline_mode = #tpu.pipeline_mode<synchronous>, transform_indices = @transform_3, window_bounds = array<i64: 128, 128>}, {pipeline_mode = #tpu.pipeline_mode<synchronous>, transform_indices = @transform_4, window_bounds = array<i64: 1, 128>}, {transform_indices = @transform_5, window_bounds = array<i64: 1000, 128>}]} {
    %get3A = arith.constant 0 : index
    %get3A_0 = arith.constant 0 : index
    %get3A_1 = arith.constant 0 : index
    %get3A_2 = vector.load %arg1[%get3A, %get3A_0, %get3A_1] : memref<2x1000x128xf32, #tpu.memory_space<vmem>>, vector<1x1000x128xf32>
    %get3A_3 = vector.shape_cast %get3A_2 : vector<1x1000x128xf32> to vector<1000x128xf32>
    %get3A_4 = arith.constant 1 : index
    %get3A_5 = arith.constant 0 : index
    %get3A_6 = arith.constant 0 : index
    %get3A_7 = vector.load %arg1[%get3A_4, %get3A_5, %get3A_6] : memref<2x1000x128xf32, #tpu.memory_space<vmem>>, vector<1x1000x128xf32>
    %get3A_8 = vector.shape_cast %get3A_7 : vector<1x1000x128xf32> to vector<1000x128xf32>
    %add3A = arith.addf %get3A_3, %get3A_8 : vector<1000x128xf32>
    %get3A_9 = arith.constant 0 : index
    %get3A_10 = arith.constant 0 : index
    %get3A_11 = vector.load %arg2[%get3A_9, %get3A_10] : memref<1000x1xf32, #tpu.memory_space<vmem>>, vector<1000x1xf32>
    %max3A = arith.constant 1.000000e+00 : f32
    %max3A_12 = vector.broadcast %max3A : f32 to vector<1000x1xf32>
    %max3A_13 = arith.maximumf %get3A_11, %max3A_12 : vector<1000x1xf32>
    %div3A = arith.constant 1.000000e+00 : f32
    %div3A_14 = vector.broadcast %div3A : f32 to vector<1000x1xf32>
    %div3A_15 = arith.divf %div3A_14, %max3A_13 : vector<1000x1xf32>
    %get3A_16 = arith.constant 0 : index
    %get3A_17 = arith.constant 0 : index
    %get3A_18 = vector.load %arg3[%get3A_16, %get3A_17] : memref<1000x128xf32, #tpu.memory_space<vmem>>, vector<1000x128xf32>
    %get3A_19 = arith.constant 0 : index
    %get3A_20 = arith.constant 0 : index
    %get3A_21 = vector.load %arg4[%get3A_19, %get3A_20] : memref<128x128xf32, #tpu.memory_space<vmem>>, vector<128x128xf32>
    %dot_general3A = arith.constant dense<0.000000e+00> : vector<1000x128xf32>
    %dot_general3A_22 = tpu.matmul %get3A_18, %get3A_21, %dot_general3A {dimension_numbers = #tpu.dot_dimension_numbers<[1], [0], [0], [1], [0, 0, 1, 1], [], []>, transpose_lhs_hint = false} : vector<1000x128xf32>, vector<128x128xf32>, vector<1000x128xf32> -> vector<1000x128xf32>
    %mul3A = vector.broadcast %div3A_15 : vector<1000x1xf32> to vector<1000x128xf32>
    %mul3A_23 = arith.mulf %add3A, %mul3A : vector<1000x128xf32>
    %add3A_24 = arith.addf %mul3A_23, %dot_general3A_22 : vector<1000x128xf32>
    %get3A_25 = arith.constant 0 : index
    %get3A_26 = arith.constant 0 : index
    %get3A_27 = vector.load %arg5[%get3A_25, %get3A_26] : memref<1x128xf32, #tpu.memory_space<vmem>>, vector<1x128xf32>
    %add3A_28 = vector.broadcast %get3A_27 : vector<1x128xf32> to vector<1000x128xf32>
    %add3A_29 = arith.addf %add3A_24, %add3A_28 : vector<1000x128xf32>
    %swap3A = arith.constant 0 : index
    %swap3A_30 = arith.constant 0 : index
    %swap3A_31 = vector.load %arg6[%swap3A, %swap3A_30] : memref<1000x128xf32, #tpu.memory_space<vmem>>, vector<1000x128xf32>
    tpu.vector_store %arg6[%swap3A, %swap3A_30], %add3A_29 {strides = array<i32>} : memref<1000x128xf32, #tpu.memory_space<vmem>>, vector<1000x128xf32>,
    return
  }
  func.func @transform_0(%arg0: i32) -> (i32, i32, i32) {
    %c0_i32 = arith.constant 0 : i32
    %c0_i32_0 = arith.constant 0 : i32
    %c0_i32_1 = arith.constant 0 : i32
    return %c0_i32, %arg0, %c0_i32_0 : i32, i32, i32
  }
  func.func @transform_1(%arg0: i32) -> (i32, i32) {
    %c0_i32 = arith.constant 0 : i32
    %c0_i32_0 = arith.constant 0 : i32
    return %arg0, %c0_i32 : i32, i32
  }
  func.func @transform_2(%arg0: i32) -> (i32, i32) {
    %c0_i32 = arith.constant 0 : i32
    %c0_i32_0 = arith.constant 0 : i32
    return %arg0, %c0_i32 : i32, i32
  }
  func.func @transform_3(%arg0: i32) -> (i32, i32) {
    %c0_i32 = arith.constant 0 : i32
    %c0_i32_0 = arith.constant 0 : i32
    %c0_i32_1 = arith.constant 0 : i32
    return %c0_i32, %c0_i32_0 : i32, i32
  }
  func.func @transform_4(%arg0: i32) -> (i32, i32) {
    %c0_i32 = arith.constant 0 : i32
    %c0_i32_0 = arith.constant 0 : i32
    %c0_i32_1 = arith.constant 0 : i32
    return %c0_i32, %c0_i32_0 : i32, i32
  }
  func.func @transform_5(%arg0: i32) -> (i32, i32) {
    %c0_i32 = arith.constant 0 : i32
    %c0_i32_0 = arith.constant 0 : i32
    return %arg0, %c0_i32 : i32, i32
  }
}

</mosaic_0001>

<sc_bundles>
// kernel: kernel.11.cloned.1.call-start
scs
__scs_entry_jumppad:
0x0: {  	(pc) =	sbr.rel $0x88, $3  }
0x1: {  	(tag) =	ssettag $0x0;
	lr =	simm.s32 $0x1  }
0x2: {  	[smem:$0x3F99] =	sst lr;
	_ =	strace $0xD0000000  }
0x3: {  	_ = 	snop  }
0x4: {  	_ = 	snop  }
0x5: {  	_ = 	snop  }
0x6: {  	_ = 	snop  }
0x7: {  	_ = 	snop  }
__scs_overlays_trampoline_lowered:
0x8: {  	[smem:$0x3FA8] =	sst s0  }
0x9: {  	[smem:$0x3FA9] =	sst s1  }
0xa: {  	[smem:$0x3FAA] =	sst s2  }
0xb: {  	[smem:$0x3FAB] =	sst s3  }
0xc: {  	[smem:$0x3FAC] =	sst s4  }
0xd: {  	[smem:$0x3FAD] =	sst s5  }
0xe: {  	[smem:$0x3FAE] =	sst s6  }
0xf: {  	[smem:$0x3FAF] =	sst s7  }
0x10: {  	[smem:$0x3FB0] =	sst s8  }
0x11: {  	[smem:$0x3FB1] =	sst s9;
	s0 =	simm.s32 @!p0 $0x0  }
0x12: {  	s1 =	sld [smem:$0x3F97];
	s0 =	simm.s32 @p0 $0x1  }
0x13: {  	[smem:$0x3FB2] =	sst s0;
	s0 =	simm.s32 @!p1 $0x0  }
0x14: {  	s2 =	sld [smem:$0x3F96];
	s0 =	simm.s32 @p1 $0x1  }
0x15: {  	[smem:$0x3FB3] =	sst s0;
	s0 =	simm.s32 @!p2 $0x0  }
0x16: {  	s3 =	sld [smem:$0x3FDB];
	s0 =	simm.s32 @p2 $0x1  }
0x17: {  	s4 =	simm.s32 $0x1BF5;
	[smem:$0x3FB5] =	sst s0  }
0x18: {  	s0 =	sld [smem:$0x3F98];
	_ =	swait.ge [sflag:s4], $0x0  }
0x19: {  	s7 =	sld [smem:$0x3F99]  }
0x1a: {  	s8 =	sadd.s32 $0xFFFFE003, lr  }
0x1b: {  	s9 =	sadd.s32 $0xFFFFFEF7, lr;
	s5 =	simm.s32 $0xFFFFFFFF;
	p2 =	slt.u32 s8, $0xFFFFF086  }
0x1c: {  	p1 =	slt.u32 s9, $0xF7A;
	s5 =	simm.s32 @!p2 $0x0  }
0x1d: {  	s5 =	simm.s32 @p1 $0x1;
	p0 =	seq.s32 s7, s2  }
0x1e: {  	s7 =	smul.u32 @!p0 $0xF7A, s2;
	p2 =	seq.s32 @!p0 s5, $0x0  }
0x1f: {  	s9 =	smul.u32 $0xF7A, s1;
	s8 =	simm.s32 @!p0 $0x1BF5;
	p2 =	por !p2, p0  }
0x20: {  	[sflag:s8] =	ssyncset.s32 @!p0 $0xFFFFF086;
	s6 =	sadd.s32 @!p0 s3, s7;
	s7 =	simm.s32 @!p0 $0x108  }
0x21: {  	s3 =	sadd.s32 s3, s9;
	s6 =	sadd.s32 @!p0 $0x88, s6;
	s7 =	simm.s32 @p2 $0x1082  }
0x22: {  	[simem:s7], [sflag:s8] =	dma.local @!p0 [hbm:s6], $0xF7A  }
0x23: {  	s9 =	sor.u32 $0xD0000000, s2;
	s6 =	simm.s32 $0x108;
	_ =	swait.ge @!p0 [sflag:s8], $0x0  }
0x24: {  	s3 =	sadd.s32 $0x88, s3;
	s6 =	simm.s32 @!p1 $0x1082;
	[sflag:s4] =	ssyncset.s32 $0xFFFFF086  }
0x25: {  	[simem:s6], [sflag:s4] =	dma.local [hbm:s3], $0xF7A  }
0x26: {  	[smem:$0x3F99] =	sst s1;
	(tag) =	ssettag s2;
	_ =	strace s9  }
0x27: {  	s1 =	sld [smem:$0x3FA9]  }
0x28: {  	s2 =	sld [smem:$0x3FAA]  }
0x29: {  	s4 =	sld [smem:$0x3FAC]  }
0x2a: {  	p0 =	seq.s32 s5, $0x0;
	s5 =	sld [smem:$0x3FAD]  }
0x2b: {  	s6 =	sld [smem:$0x3FAE]  }
0x2c: {  	s7 =	sld [smem:$0x3FAF]  }
0x2d: {  	s3 =	simm.s32 $0x108;
	s8 =	sld [smem:$0x3FB0]  }
0x2e: {  	s3 =	simm.s32 @!p0 $0x1082;
	s9 =	sld [smem:$0x3FB1]  }
0x2f: {  	lr =	sadd.s32 s0, s3;
	s0 =	sld [smem:$0x3FA8]  }
0x30: {  	s3 =	sld [smem:$0x3FAB]  }
0x31: {  	[smem:$0x3FB4] =	sst s10  }
0x32: {  	s10 =	sld [smem:$0x3FB2];
	_ =	sdelay $0x3  }
0x33: {  	p0 =	seq.s32 s10, $0x1;
	s10 =	sld [smem:$0x3FB4];
	_ =	sdelay $0x3  }
0x34: {  	[smem:$0x3FB4] =	sst s10  }
0x35: {  	s10 =	sld [smem:$0x3FB3];
	_ =	sdelay $0x3  }
0x36: {  	p1 =	seq.s32 s10, $0x1;
	s10 =	sld [smem:$0x3FB4];
	_ =	sdelay $0x3  }
0x37: {  	[smem:$0x3FB4] =	sst s10  }
0x38: {  	s10 =	sld [smem:$0x3FB5]  }
0x39: {  	_ = 	snop;
	(pc) =	sbr.ind lr, $3  }
0x3a: {  	_ = 	snop  }
0x3b: {  	_ = 	snop  }
0x3c: {  	p2 =	seq.s32 s10, $0x1;
	s10 =	sld [smem:$0x3FB4]  }
0x3d: {  	_ =	shalt  }
0x3e: {  	_ =	shalt  }
0x3f: {  	_ =	shalt  }
0x40: {  	_ =	shalt  }
0x41: {  	_ =	shalt  }
0x42: {  	_ =	shalt  }
0x43: {  	_ =	shalt  }
0x44: {  	_ =	shalt  }
0x45: {  	_ =	shalt  }
0x46: {  	_ =	shalt  }
0x47: {  	_ =	shalt  }
0x48: {  	_ =	shalt  }
0x49: {  	_ =	shalt  }
0x4a: {  	_ =	shalt  }
0x4b: {  	_ =	shalt  }
0x4c: {  	_ =	shalt  }
0x4d: {  	_ =	shalt  }
0x4e: {  	_ =	shalt  }
0x4f: {  	_ =	shalt  }
0x50: {  	_ =	shalt  }
0x51: {  	_ =	shalt  }
0x52: {  	_ =	shalt  }
0x53: {  	_ =	shalt  }
0x54: {  	_ =	shalt  }
0x55: {  	_ =	shalt  }
0x56: {  	_ =	shalt  }
0x57: {  	_ =	shalt  }
0x58: {  	_ =	shalt  }
0x59: {  	_ =	shalt  }
0x5a: {  	_ =	shalt  }
0x5b: {  	_ =	shalt  }
0x5c: {  	_ =	shalt  }
0x5d: {  	_ =	shalt  }
0x5e: {  	_ =	shalt  }
0x5f: {  	_ =	shalt  }
0x60: {  	_ =	shalt  }
0x61: {  	_ =	shalt  }
0x62: {  	_ =	shalt  }
0x63: {  	_ =	shalt  }
0x64: {  	_ =	shalt  }
0x65: {  	_ =	shalt  }
0x66: {  	_ =	shalt  }
0x67: {  	_ =	shalt  }
0x68: {  	_ =	shalt  }
0x69: {  	_ =	shalt  }
0x6a: {  	_ =	shalt  }
0x6b: {  	_ =	shalt  }
0x6c: {  	_ =	shalt  }
0x6d: {  	_ =	shalt  }
0x6e: {  	_ =	shalt  }
0x6f: {  	_ =	shalt  }
0x70: {  	_ =	shalt  }
0x71: {  	_ =	shalt  }
0x72: {  	_ =	shalt  }
0x73: {  	_ =	shalt  }
0x74: {  	_ =	shalt  }
0x75: {  	_ =	shalt  }
0x76: {  	_ =	shalt  }
0x77: {  	_ =	shalt  }
0x78: {  	_ =	shalt  }
0x79: {  	_ =	shalt  }
0x7a: {  	_ =	shalt  }
0x7b: {  	_ =	shalt  }
0x7c: {  	_ =	shalt  }
0x7d: {  	_ =	shalt  }
0x7e: {  	_ =	shalt  }
0x7f: {  	_ =	shalt  }
0x80: {  	_ =	shalt  }
0x81: {  	_ =	shalt  }
0x82: {  	_ =	shalt  }
0x83: {  	_ =	shalt  }
0x84: {  	_ =	shalt  }
0x85: {  	_ =	shalt  }
0x86: {  	_ =	shalt  }
0x87: {  	_ =	shalt  }
.Lfunc_end0:
.L_simem_size_0:
called_computation.1_lowered:
.L_overlay_start_0:
0x88: {  	s2 =	sld [smem:$0x3FD9]  }
0x89: {  	s3 =	sld [smem:$0x3FFE];
	_ =	sdelay $0x1  }
0x8a: {  	s1 =	srdreg.scid  }
0x8b: {  	s0 =	sand.u32 $0x1, s1  }
0x8c: {  	s17 =	sshll.u32 s0, $0xA;
	s2 =	sadd.s32 s3, s2  }
0x8d: {  	s2 =	sadd.s32 s2, s17  }
0x8e: {  	[smem:$0x3FC0] =	sst s2  }
0x8f: {  	_ = 	snop  }
0x90: {  	s2 =	sld [smem:$0x3FD0];
	(tm) =	ssettm $0x1  }
0x91: {  	s18 =	sld [smem:$0x3FFB];
	_ =	sdelay $0x3  }
0x92: {  	_ =	strace s18  }
0x93: {  	s3 =	sld [smem:$0x3FFC];
	_ =	sdelay $0x3  }
0x94: {  	_ =	strace s3  }
0x95: {  	s3 =	sld [smem:$0x3FFD];
	_ =	sdelay $0x3  }
0x96: {  	_ =	strace s3  }
0x97: {  	_ =	strace $0x8FFFFFFF  }
0x98: {  	s19 =	sld [smem:$0x3FDB];
	_ =	sdelay $0x1  }
0x99: {  	s4 =	simm.s32 $_scs_section_size  }
0x9a: {  	s5 =	simm.s32 $_size__tile_overlayer_lowered;
	s6 =	simm.s32 $_tile_overlayer_lowered  }
0x9b: {  	s22 =	simm.s32 $0x1BFF;
	s21 =	sshll.u32 s6, $0x1;
	s3 =	sadd.s32 s4, s19  }
0x9c: {  	s7 =	simm.s32 $0x0;
	s20 =	sshll.u32 s5, $0x1;
	s5 =	sadd.s32 s21, s3  }
0x9d: {  	[timem:s7], [sflag:s22] =	dma.local [hbm:s5], s20  }
0x9e: {  	_ =	swait.ge [sflag:s22], s20  }
0x9f: {  	s4 =	ssub.s32 $0x0, s20;
	[sflag:s22] =	ssyncset.done $0x0  }
0xa0: {  	[sflag:s22] =	ssyncadd.s32 s4;
	_ =	sdelay $0x1  }
0xa1: {  	s23 =	simm.s32 $0x1B8B  }
0xa2: {  	_ =	swait.ge [sflag:s23], $0x1  }
0xa3: {  	[sflag:s23] =	ssyncset.done $0x0  }
0xa4: {  	s25 =	simm.s32 $0x1B8E;
	s24 =	sld [smem:$0x3FFE];
	[sflag:s23] =	ssyncadd.s32 $0xFFFFFFFF  }
0xa5: {  	s26 =	simm.s32 $execute0_lowered;
	[smem:$0x3FD2] =	sst s25  }
0xa6: {  	s5 =	sshll.u32 s26, $0x1;
	_ =	strace $0x80000049;
	[dreg:$0x1] =	wrdreg $0xFFFFFFFF  }
0xa7: {  	s28 =	simm.s32 $_size_execute0_lowered;
	s3 =	sadd.s32 s3, s5;
	[dreg:$0x0] =	wrdreg $0x0  }
0xa8: {  	s5 =	sshll.u32 s28, $0x1;
	[dreg:$0x2] =	wrdreg s3  }
0xa9: {  	[dreg:$0x3] =	wrdreg s5  }
0xaa: {  	[dreg:$0x4] =	wrdreg $0xC0  }
0xab: {  	_ =	task [dreg:s7], $0x5FFFF  }
0xac: {  	[dreg:$0x1] =	wrdreg $0xFFFFFFFF  }
0xad: {  	[dreg:$0x0] =	wrdreg $0x60  }
0xae: {  	[dreg:$0x2] =	wrdreg s2  }
0xaf: {  	[dreg:$0x3] =	wrdreg s24  }
0xb0: {  	[dreg:$0x4] =	wrdreg $0x88000  }
0xb1: {  	[dreg:$0x5] =	wrdreg $0x9  }
0xb2: {  	_ =	task.clear_ibuf [dreg:s7], $0x6FFFF;
	_ =	strace $0x90000049  }
0xb3: {  	s29 =	simm.s32 $0x9;
	_ =	strace $0x8000004B  }
0xb4: {  	_ =	swait.ge [sflag:s29], $0x1  }
0xb5: {  	[sflag:s29] =	ssyncadd.s32 $0xFFFFFFFF  }
0xb6: {  	_ =	strace $0x9000004B  }
0xb7: {  	_ =	sfence  }
0xb8: {  	s30 =	sld [smem:$0x0];
	_ =	sdelay $0x2  }
0xb9: {  	s31 =	sshll.u32 s1, $0xD;
	s1 =	sshrl.u32 s1, $0x2  }
0xba: {  	s3 =	sand.u32 $0x4000, s31;
	s1 =	sadd.s32 s1, s30  }
0xbb: {  	s0 =	sor.u32 s3, s0;
	s1 =	sshll.u32 s1, $0x11  }
0xbc: {  	s0 =	sor.u32 s1, s0  }
0xbd: {  	s0 =	sadd.s32 $0x8F2B, s0  }
0xbe: {  	[sflag:s0] =	ssyncadd.remote.s32 $0x1  }
0xbf: {  	_ =	sfence.sel $0xFFFF  }
0xc0: {  	[dreg:$0x0] =	wrdreg $0xFFFFFFFF;
	(pc) =	sbr.abs _section_cstart, $3  }
0xc1: {  	[dreg:$0x1] =	wrdreg $0xFFFFFFFF  }
0xc2: {  	_ =	task.clear_ibuf [dreg:s7], $0x2FFFF;
	_ =	strace $0x9FFFFFFF  }
0xc3: {  	(tm) =	ssettm $0x7FFFFFFF  }
tec
execute0_lowered:
.L_overlay_start_1:
0x0: {  	(tag) =	ssettag $0x1  }
0x1: {  	s1 =	rddreg [dreg:$0x0];
	s0 =	srdreg.scid  }
0x2: {  	s2 =	rddreg [dreg:$0x1];
	s10 =	stileid.u32  }
0x3: {  	s3 =	rddreg [dreg:$0x2];
	s4 =	simm.s32 $0x0;
	s11 =	simm.s32 $0x5  }
0x4: {  	s12 =	simm.s32 $0x400;
	s13 =	simm.s32 $0x80;
	s14 =	simm.s32 $0x800  }
0x5: {  	s15 =	simm.s32 $0x4800;
	s16 =	simm.s32 $0x1;
	s17 =	simm.s32 $0x3  }
0x6: {  	s18 =	simm.s32 $0x100;
	s19 =	simm.s32 $0x2;
	s6 =	smul.u32 $0x2800, s10  }
0x7: {  	s20 =	simm.s32 $0x480;
	s28 =	simm.s32 $0x600;
	s21 =	smul.u32 $0x13C00, s10  }
0x8: {  	s29 =	simm.s32 $0x300;
	s0 =	sand.u32 $0x1, s0;
	s22 =	smul.u32 $0x4F000, s10  }
0x9: {  	s30 =	simm.s32 $0x680;
	s31 =	simm.s32 $0x380;
	s5 =	smul.u32 $0x28000, s0  }
0xa: {  	[smem:$0x7FF] =	sst s4;
	s25 =	sshll.u32 s10, $0x6;
	s7 =	smul.u32 $0x13C000, s0  }
0xb: {  	_ =	strace $0x8000004A;
	s0 =	ssub.s32 $0x2, s0;
	s8 =	sshrl.u32 s21, $0x3  }
0xc: {  	s9 =	sshrl.u32 s0, $0x1;
	s23 =	sshrl.u32 s22, $0x2;
	s22 =	simm.s32 $0x180  }
0xd: {  	s5 =	sadd.s32 s6, s5;
	s6 =	sadd.s32 s21, s7;
	s8 =	sadd.s32 s8, s2  }
0xe: {  	s0 =	ssub.s32 s0, s9;
	s7 =	sor.u32 $0x1C05, s25;
	s21 =	simm.s32 $0x4  }
0xf: {  	s25 =	simm.s32 $0x580;
	s5 =	sshrl.u32 s5, $0x3;
	s6 =	sshrl.u32 s6, $0x3  }
0x10: {  	s24 =	sadd.s32 $0x15C00, s8;
	s0 =	smax.u32 s0, $0x1;
	[dreg:$0x6] =	wrdreg s7  }
0x11: {  	s8 =	simm.s32 $0x0;
	s5 =	sadd.s32 s5, s2;
	[dreg:$0x5] =	wrdreg s24  }
0x12: {  	s2 =	sadd.s32 s6, s2;
	s6 =	sadd.s32 s23, s3;
	[dreg:$0x8] =	wrdreg s0  }
0x13: {  	s23 =	simm.s32 $0x500;
	s24 =	simm.s32 $0x200;
	s2 =	sadd.s32 $0x64600, s2  }
0x14: {  	s0 =	simm.s32 $0x780;
	s26 =	sadd.s32 $0x1C00, s5;
	[dreg:$0x7] =	wrdreg s2  }
0x15: {  	s9 =	sadd.s32 $0xBC00, s5;
	s6 =	sshrl.u32 s6, $0x3;
	[dreg:$0x4] =	wrdreg s26  }
0x16: {  	s26 =	simm.s32 $0x280;
	s2 =	simm.s32 $0x700;
	[dreg:$0x9] =	wrdreg s6  }
.LBB2_1:
0x17: {  	[dreg:$0xa] =	wrdreg s8  }
0x18: {  	s5 =	rddreg [dreg:$0x5]  }
0x19: {  	[spmem:s6], [sflag:s7] =	dma.local [hbm:s5], $0x2780  }
0x1a: {  	_ =	swait.ge [sflag:s11], $0x2780  }
0x1b: {  	[sflag:s11] =	ssyncset.done $0x0  }
0x1c: {  	[sflag:s11] =	ssyncadd.s32 $0xFFFFD880  }
0x1d: {  	s8 =	sadd.s32 $0x0, s9;
	[bflag:$0x0] =	sbarrier.arrive $0xFFFF  }
0x1e: {  	[tilespmem:s4], [sflag:$0x5] =	stream.linear.gather [hbm4b:s8+s4], $0x400, $0x38;
	[tilespmem:$0x1C400] =	vst v63  }
0x1f: {  	_ =	swait.ge [sflag:s11], $0x400  }
0x20: {  	s10 =	rddreg [dreg:$0x4];
	[sflag:s11] =	ssyncset.done $0x0  }
0x21: {  	[sflag:s11] =	ssyncadd.s32 $0xFFFFFC00;
	s6 =	sadd.s32 $0x0, s10  }
0x22: {  	[tilespmem:s12], [sflag:$0x5] =	stream.linear.gather [hbm4b:s6+s4], $0x400, $0x38;
	[tilespmem:$0x1C400] =	vst v63  }
0x23: {  	_ =	swait.ge [sflag:s11], $0x400  }
0x24: {  	[sflag:s11] =	ssyncset.done $0x0  }
0x25: {  	[sflag:s11] =	ssyncadd.s32 $0xFFFFFC00  }
0x26: {  	[tilespmem:s14], [sflag:$0x1] =	stream.indirect.gather [hbm4b:s1+s13], $0x80, s4, s13, $0xb8;
	[tilespmem:$0x1C400] =	vst v63  }
0x27: {  	_ = 	snop  }
0x28: {  	[tilespmem:s15], [sflag:$0x2] =	stream.indirect.gather [hbm4b:s1+s13], $0x80, s13, s13, $0xb8;
	[tilespmem:$0x1C400] =	vst v63  }
0x29: {  	_ =	swait.ge [sflag:s16], $0x4000  }
0x2a: {  	[sflag:s16] =	ssyncset.done $0x0  }
0x2b: {  	[sflag:s16] =	ssyncadd.s32 $0xFFFFC000  }
0x2c: {  	[spmem:s3] =	stream.indirect.scatter.add.f32 [tilespmem:s14], [sflag:$0x3], $0x80, s12, s13, $0xb8;
	[tilespmem:$0x1C400] =	vst v63  }
0x2d: {  	_ =	swait.ge [sflag:s17], $0x4000  }
0x2e: {  	[sflag:s17] =	ssyncset.done $0x0  }
0x2f: {  	[sflag:s17] =	ssyncadd.s32 $0xFFFFC000  }
0x30: {  	[tilespmem:s14], [sflag:$0x1] =	stream.indirect.gather [hbm4b:s1+s13], $0x80, s18, s13, $0xb8;
	[tilespmem:$0x1C400] =	vst v63  }
0x31: {  	_ =	swait.ge [sflag:s19], $0x4000  }
0x32: {  	[sflag:s19] =	ssyncset.done $0x0  }
0x33: {  	[sflag:s19] =	ssyncadd.s32 $0xFFFFC000  }
0x34: {  	[spmem:s3] =	stream.indirect.scatter.add.f32 [tilespmem:s15], [sflag:$0x4], $0x80, s20, s13, $0xb8;
	[tilespmem:$0x1C400] =	vst v63  }
0x35: {  	_ =	swait.ge [sflag:s21], $0x4000  }
0x36: {  	[sflag:s21] =	ssyncset.done $0x0  }
0x37: {  	[sflag:s21] =	ssyncadd.s32 $0xFFFFC000  }
0x38: {  	[tilespmem:s15], [sflag:$0x2] =	stream.indirect.gather [hbm4b:s1+s13], $0x80, s22, s13, $0xb8;
	[tilespmem:$0x1C400] =	vst v63  }
0x39: {  	_ =	swait.ge [sflag:s16], $0x4000  }
0x3a: {  	[sflag:s16] =	ssyncset.done $0x0  }
0x3b: {  	[sflag:s16] =	ssyncadd.s32 $0xFFFFC000  }
0x3c: {  	[spmem:s3] =	stream.indirect.scatter.add.f32 [tilespmem:s14], [sflag:$0x3], $0x80, s23, s13, $0xb8;
	[tilespmem:$0x1C400] =	vst v63  }
0x3d: {  	_ =	swait.ge [sflag:s17], $0x4000  }
0x3e: {  	[sflag:s17] =	ssyncset.done $0x0  }
0x3f: {  	[sflag:s17] =	ssyncadd.s32 $0xFFFFC000  }
0x40: {  	[tilespmem:s14], [sflag:$0x1] =	stream.indirect.gather [hbm4b:s1+s13], $0x80, s24, s13, $0xb8;
	[tilespmem:$0x1C400] =	vst v63  }
0x41: {  	_ =	swait.ge [sflag:s19], $0x4000  }
0x42: {  	[sflag:s19] =	ssyncset.done $0x0  }
0x43: {  	[sflag:s19] =	ssyncadd.s32 $0xFFFFC000  }
0x44: {  	[spmem:s3] =	stream.indirect.scatter.add.f32 [tilespmem:s15], [sflag:$0x4], $0x80, s25, s13, $0xb8;
	[tilespmem:$0x1C400] =	vst v63  }
0x45: {  	_ =	swait.ge [sflag:s21], $0x4000  }
0x46: {  	[sflag:s21] =	ssyncset.done $0x0  }
0x47: {  	[sflag:s21] =	ssyncadd.s32 $0xFFFFC000  }
0x48: {  	[tilespmem:s15], [sflag:$0x2] =	stream.indirect.gather [hbm4b:s1+s13], $0x80, s26, s13, $0xb8;
	[tilespmem:$0x1C400] =	vst v63  }
0x49: {  	_ =	swait.ge [sflag:s16], $0x4000  }
0x4a: {  	[sflag:s16] =	ssyncset.done $0x0  }
0x4b: {  	[sflag:s16] =	ssyncadd.s32 $0xFFFFC000  }
0x4c: {  	[spmem:s3] =	stream.indirect.scatter.add.f32 [tilespmem:s14], [sflag:$0x3], $0x80, s28, s13, $0xb8;
	[tilespmem:$0x1C400] =	vst v63  }
0x4d: {  	_ =	swait.ge [sflag:s17], $0x4000  }
0x4e: {  	[sflag:s17] =	ssyncset.done $0x0  }
0x4f: {  	[sflag:s17] =	ssyncadd.s32 $0xFFFFC000  }
0x50: {  	[tilespmem:s14], [sflag:$0x1] =	stream.indirect.gather [hbm4b:s1+s13], $0x80, s29, s13, $0xb8;
	[tilespmem:$0x1C400] =	vst v63  }
0x51: {  	_ =	swait.ge [sflag:s19], $0x4000  }
0x52: {  	[sflag:s19] =	ssyncset.done $0x0  }
0x53: {  	[sflag:s19] =	ssyncadd.s32 $0xFFFFC000  }
0x54: {  	[spmem:s3] =	stream.indirect.scatter.add.f32 [tilespmem:s15], [sflag:$0x4], $0x80, s30, s13, $0xb8;
	[tilespmem:$0x1C400] =	vst v63  }
0x55: {  	_ =	swait.ge [sflag:s21], $0x4000  }
0x56: {  	[sflag:s21] =	ssyncset.done $0x0  }
0x57: {  	[sflag:s21] =	ssyncadd.s32 $0xFFFFC000  }
0x58: {  	[tilespmem:s15], [sflag:$0x2] =	stream.indirect.gather [hbm4b:s1+s13], $0x80, s31, s13, $0xb8;
	[tilespmem:$0x1C400] =	vst v63  }
0x59: {  	_ =	swait.ge [sflag:s16], $0x4000  }
0x5a: {  	[sflag:s16] =	ssyncset.done $0x0  }
0x5b: {  	[sflag:s16] =	ssyncadd.s32 $0xFFFFC000  }
0x5c: {  	[spmem:s3] =	stream.indirect.scatter.add.f32 [tilespmem:s14], [sflag:$0x3], $0x80, s2, s13, $0xb8;
	[tilespmem:$0x1C400] =	vst v63  }
0x5d: {  	_ =	swait.ge [sflag:s19], $0x4000  }
0x5e: {  	[sflag:s19] =	ssyncset.done $0x0  }
0x5f: {  	[sflag:s19] =	ssyncadd.s32 $0xFFFFC000  }
0x60: {  	[spmem:s3] =	stream.indirect.scatter.add.f32 [tilespmem:s15], [sflag:$0x4], $0x80, s0, s13, $0xb8;
	[tilespmem:$0x1C400] =	vst v63  }
0x61: {  	_ =	swait.ge [sflag:s17], $0x4000  }
0x62: {  	[sflag:s17] =	ssyncset.done $0x0  }
0x63: {  	[sflag:s17] =	ssyncadd.s32 $0xFFFFC000  }
0x64: {  	_ =	swait.ge [sflag:s21], $0x4000  }
0x65: {  	s7 =	simm.s32 $0x80;
	s8 =	simm.s32 $0x100;
	[sflag:s21] =	ssyncset.done $0x0  }
.LBB2_2:
0x66: {  	s10 =	sadd.s32 s7, s9;
	[sflag:s21] =	ssyncadd.s32 $0xFFFFC000  }
0x67: {  	[tilespmem:s4], [sflag:$0x5] =	stream.linear.gather [hbm4b:s10+s4], $0x400, $0x38;
	[tilespmem:$0x1C400] =	vst v63  }
0x68: {  	s5 =	smov.u32 s8;
	_ =	swait.ge [sflag:s11], $0x400  }
0x69: {  	s6 =	sadd.s32 $0x80, s8;
	s10 =	rddreg [dreg:$0x4];
	[sflag:s11] =	ssyncset.done $0x0  }
0x6a: {  	p0 =	sne.s32 s8, $0x480;
	[sflag:s11] =	ssyncadd.s32 $0xFFFFFC00;
	s8 =	sadd.s32 s7, s10  }
0x6b: {  	[tilespmem:s12], [sflag:$0x5] =	stream.linear.gather [hbm4b:s8+s4], $0x400, $0x38;
	[tilespmem:$0x1C400] =	vst v63  }
0x6c: {  	_ =	swait.ge [sflag:s11], $0x400  }
0x6d: {  	[sflag:s11] =	ssyncset.done $0x0  }
0x6e: {  	[sflag:s11] =	ssyncadd.s32 $0xFFFFFC00  }
0x6f: {  	[tilespmem:s14], [sflag:$0x1] =	stream.indirect.gather [hbm4b:s1+s13], $0x80, s4, s13, $0xb8;
	[tilespmem:$0x1C400] =	vst v63  }
0x70: {  	_ = 	snop  }
0x71: {  	[tilespmem:s15], [sflag:$0x2] =	stream.indirect.gather [hbm4b:s1+s13], $0x80, s13, s13, $0xb8;
	[tilespmem:$0x1C400] =	vst v63  }
0x72: {  	_ =	swait.ge [sflag:s16], $0x4000  }
0x73: {  	[sflag:s16] =	ssyncset.done $0x0  }
0x74: {  	[sflag:s16] =	ssyncadd.s32 $0xFFFFC000  }
0x75: {  	[spmem:s3] =	stream.indirect.scatter.add.f32 [tilespmem:s14], [sflag:$0x3], $0x80, s12, s13, $0xb8;
	[tilespmem:$0x1C400] =	vst v63  }
0x76: {  	_ =	swait.ge [sflag:s17], $0x4000  }
0x77: {  	[sflag:s17] =	ssyncset.done $0x0  }
0x78: {  	[sflag:s17] =	ssyncadd.s32 $0xFFFFC000  }
0x79: {  	[tilespmem:s14], [sflag:$0x1] =	stream.indirect.gather [hbm4b:s1+s13], $0x80, s18, s13, $0xb8;
	[tilespmem:$0x1C400] =	vst v63  }
0x7a: {  	_ =	swait.ge [sflag:s19], $0x4000  }
0x7b: {  	[sflag:s19] =	ssyncset.done $0x0  }
0x7c: {  	[sflag:s19] =	ssyncadd.s32 $0xFFFFC000  }
0x7d: {  	[spmem:s3] =	stream.indirect.scatter.add.f32 [tilespmem:s15], [sflag:$0x4], $0x80, s20, s13, $0xb8;
	[tilespmem:$0x1C400] =	vst v63  }
0x7e: {  	_ =	swait.ge [sflag:s21], $0x4000  }
0x7f: {  	[sflag:s21] =	ssyncset.done $0x0  }
0x80: {  	[sflag:s21] =	ssyncadd.s32 $0xFFFFC000  }
0x81: {  	[tilespmem:s15], [sflag:$0x2] =	stream.indirect.gather [hbm4b:s1+s13], $0x80, s22, s13, $0xb8;
	[tilespmem:$0x1C400] =	vst v63  }
0x82: {  	_ =	swait.ge [sflag:s16], $0x4000  }
0x83: {  	[sflag:s16] =	ssyncset.done $0x0  }
0x84: {  	[sflag:s16] =	ssyncadd.s32 $0xFFFFC000  }
0x85: {  	[spmem:s3] =	stream.indirect.scatter.add.f32 [tilespmem:s14], [sflag:$0x3], $0x80, s23, s13, $0xb8;
	[tilespmem:$0x1C400] =	vst v63  }
0x86: {  	_ =	swait.ge [sflag:s17], $0x4000  }
0x87: {  	[sflag:s17] =	ssyncset.done $0x0  }
0x88: {  	[sflag:s17] =	ssyncadd.s32 $0xFFFFC000  }
0x89: {  	[tilespmem:s14], [sflag:$0x1] =	stream.indirect.gather [hbm4b:s1+s13], $0x80, s24, s13, $0xb8;
	[tilespmem:$0x1C400] =	vst v63  }
0x8a: {  	_ =	swait.ge [sflag:s19], $0x4000  }
0x8b: {  	[sflag:s19] =	ssyncset.done $0x0  }
0x8c: {  	[sflag:s19] =	ssyncadd.s32 $0xFFFFC000  }
0x8d: {  	[spmem:s3] =	stream.indirect.scatter.add.f32 [tilespmem:s15], [sflag:$0x4], $0x80, s25, s13, $0xb8;
	[tilespmem:$0x1C400] =	vst v63  }
0x8e: {  	_ =	swait.ge [sflag:s21], $0x4000  }
0x8f: {  	[sflag:s21] =	ssyncset.done $0x0  }
0x90: {  	[sflag:s21] =	ssyncadd.s32 $0xFFFFC000  }
0x91: {  	[tilespmem:s15], [sflag:$0x2] =	stream.indirect.gather [hbm4b:s1+s13], $0x80, s26, s13, $0xb8;
	[tilespmem:$0x1C400] =	vst v63  }
0x92: {  	_ =	swait.ge [sflag:s16], $0x4000  }
0x93: {  	[sflag:s16] =	ssyncset.done $0x0  }
0x94: {  	[sflag:s16] =	ssyncadd.s32 $0xFFFFC000  }
0x95: {  	[spmem:s3] =	stream.indirect.scatter.add.f32 [tilespmem:s14], [sflag:$0x3], $0x80, s28, s13, $0xb8;
	[tilespmem:$0x1C400] =	vst v63  }
0x96: {  	_ =	swait.ge [sflag:s17], $0x4000  }
0x97: {  	[sflag:s17] =	ssyncset.done $0x0  }
0x98: {  	[sflag:s17] =	ssyncadd.s32 $0xFFFFC000  }
0x99: {  	[tilespmem:s14], [sflag:$0x1] =	stream.indirect.gather [hbm4b:s1+s13], $0x80, s29, s13, $0xb8;
	[tilespmem:$0x1C400] =	vst v63  }
0x9a: {  	_ =	swait.ge [sflag:s19], $0x4000  }
0x9b: {  	[sflag:s19] =	ssyncset.done $0x0  }
0x9c: {  	[sflag:s19] =	ssyncadd.s32 $0xFFFFC000  }
0x9d: {  	[spmem:s3] =	stream.indirect.scatter.add.f32 [tilespmem:s15], [sflag:$0x4], $0x80, s30, s13, $0xb8;
	[tilespmem:$0x1C400] =	vst v63  }
0x9e: {  	_ =	swait.ge [sflag:s21], $0x4000  }
0x9f: {  	[sflag:s21] =	ssyncset.done $0x0  }
0xa0: {  	[sflag:s21] =	ssyncadd.s32 $0xFFFFC000  }
0xa1: {  	[tilespmem:s15], [sflag:$0x2] =	stream.indirect.gather [hbm4b:s1+s13], $0x80, s31, s13, $0xb8;
	[tilespmem:$0x1C400] =	vst v63  }
0xa2: {  	_ =	swait.ge [sflag:s16], $0x4000  }
0xa3: {  	[sflag:s16] =	ssyncset.done $0x0  }
0xa4: {  	[sflag:s16] =	ssyncadd.s32 $0xFFFFC000  }
0xa5: {  	[spmem:s3] =	stream.indirect.scatter.add.f32 [tilespmem:s14], [sflag:$0x3], $0x80, s2, s13, $0xb8;
	[tilespmem:$0x1C400] =	vst v63  }
0xa6: {  	_ =	swait.ge [sflag:s19], $0x4000  }
0xa7: {  	[sflag:s19] =	ssyncset.done $0x0  }
0xa8: {  	[sflag:s19] =	ssyncadd.s32 $0xFFFFC000  }
0xa9: {  	[spmem:s3] =	stream.indirect.scatter.add.f32 [tilespmem:s15], [sflag:$0x4], $0x80, s0, s13, $0xb8;
	[tilespmem:$0x1C400] =	vst v63  }
.Ltmp0:
0xaa: {  	_ =	swait.ge [sflag:s17], $0x4000;
	(pc) =	sbr.rel @p0 .LBB2_2-.Ltmp0, $4  }
0xab: {  	[sflag:s17] =	ssyncset.done $0x0  }
0xac: {  	[sflag:s17] =	ssyncadd.s32 $0xFFFFC000  }
0xad: {  	_ =	swait.ge [sflag:s21], $0x4000  }
0xae: {  	s7 =	smov.u32 s5;
	s8 =	smov.u32 s6;
	[sflag:s21] =	ssyncset.done $0x0  }
0xaf: {  	s5 =	sadd.s32 s7, s9;
	[sflag:s21] =	ssyncadd.s32 $0xFFFFC000  }
0xb0: {  	[tilespmem:s4], [sflag:$0x5] =	stream.linear.gather [hbm4b:s5+s4], $0x400, $0x38;
	[tilespmem:$0x1C400] =	vst v63  }
0xb1: {  	_ =	swait.ge [sflag:s11], $0x400  }
0xb2: {  	s6 =	rddreg [dreg:$0x4];
	[sflag:s11] =	ssyncset.done $0x0  }
0xb3: {  	s5 =	sadd.s32 s7, s6;
	[sflag:s11] =	ssyncadd.s32 $0xFFFFFC00  }
0xb4: {  	[tilespmem:s12], [sflag:$0x5] =	stream.linear.gather [hbm4b:s5+s4], $0x400, $0x38;
	[tilespmem:$0x1C400] =	vst v63  }
0xb5: {  	_ =	swait.ge [sflag:s11], $0x400  }
0xb6: {  	[sflag:s11] =	ssyncset.done $0x0  }
0xb7: {  	[sflag:s11] =	ssyncadd.s32 $0xFFFFFC00  }
0xb8: {  	[tilespmem:s14], [sflag:$0x1] =	stream.indirect.gather [hbm4b:s1+s13], $0x80, s4, s13, $0xb8;
	[tilespmem:$0x1C400] =	vst v63  }
0xb9: {  	_ = 	snop  }
0xba: {  	[tilespmem:s15], [sflag:$0x2] =	stream.indirect.gather [hbm4b:s1+s13], $0x80, s13, s13, $0xb8;
	[tilespmem:$0x1C400] =	vst v63  }
0xbb: {  	_ =	swait.ge [sflag:s16], $0x4000  }
0xbc: {  	[sflag:s16] =	ssyncset.done $0x0  }
0xbd: {  	[sflag:s16] =	ssyncadd.s32 $0xFFFFC000  }
0xbe: {  	[spmem:s3] =	stream.indirect.scatter.add.f32 [tilespmem:s14], [sflag:$0x3], $0x80, s12, s13, $0xb8;
	[tilespmem:$0x1C400] =	vst v63  }
0xbf: {  	_ =	swait.ge [sflag:s17], $0x4000  }
0xc0: {  	[sflag:s17] =	ssyncset.done $0x0  }
0xc1: {  	[sflag:s17] =	ssyncadd.s32 $0xFFFFC000  }
0xc2: {  	[tilespmem:s14], [sflag:$0x1] =	stream.indirect.gather [hbm4b:s1+s13], $0x80, s18, s13, $0xb8;
	[tilespmem:$0x1C400] =	vst v63  }
0xc3: {  	_ =	swait.ge [sflag:s19], $0x4000  }
0xc4: {  	[sflag:s19] =	ssyncset.done $0x0  }
0xc5: {  	[sflag:s19] =	ssyncadd.s32 $0xFFFFC000  }
0xc6: {  	[spmem:s3] =	stream.indirect.scatter.add.f32 [tilespmem:s15], [sflag:$0x4], $0x80, s20, s13, $0xb8;
	[tilespmem:$0x1C400] =	vst v63  }
0xc7: {  	_ =	swait.ge [sflag:s21], $0x4000  }
0xc8: {  	[sflag:s21] =	ssyncset.done $0x0  }
0xc9: {  	[sflag:s21] =	ssyncadd.s32 $0xFFFFC000  }
0xca: {  	[tilespmem:s15], [sflag:$0x2] =	stream.indirect.gather [hbm4b:s1+s13], $0x80, s22, s13, $0xb8;
	[tilespmem:$0x1C400] =	vst v63  }
0xcb: {  	_ =	swait.ge [sflag:s16], $0x4000  }
0xcc: {  	[sflag:s16] =	ssyncset.done $0x0  }
0xcd: {  	[sflag:s16] =	ssyncadd.s32 $0xFFFFC000  }
0xce: {  	[spmem:s3] =	stream.indirect.scatter.add.f32 [tilespmem:s14], [sflag:$0x3], $0x80, s23, s13, $0xb8;
	[tilespmem:$0x1C400] =	vst v63  }
0xcf: {  	_ =	swait.ge [sflag:s17], $0x4000  }
0xd0: {  	[sflag:s17] =	ssyncset.done $0x0  }
0xd1: {  	[sflag:s17] =	ssyncadd.s32 $0xFFFFC000  }
0xd2: {  	[tilespmem:s14], [sflag:$0x1] =	stream.indirect.gather [hbm4b:s1+s13], $0x80, s24, s13, $0xb8;
	[tilespmem:$0x1C400] =	vst v63  }
0xd3: {  	_ =	swait.ge [sflag:s19], $0x4000  }
0xd4: {  	[sflag:s19] =	ssyncset.done $0x0  }
0xd5: {  	[sflag:s19] =	ssyncadd.s32 $0xFFFFC000  }
0xd6: {  	[spmem:s3] =	stream.indirect.scatter.add.f32 [tilespmem:s15], [sflag:$0x4], $0x80, s25, s13, $0xb8;
	[tilespmem:$0x1C400] =	vst v63  }
0xd7: {  	_ =	swait.ge [sflag:s21], $0x4000  }
0xd8: {  	[sflag:s21] =	ssyncset.done $0x0  }
0xd9: {  	[sflag:s21] =	ssyncadd.s32 $0xFFFFC000  }
0xda: {  	[tilespmem:s15], [sflag:$0x2] =	stream.indirect.gather [hbm4b:s1+s13], $0x80, s26, s13, $0xb8;
	[tilespmem:$0x1C400] =	vst v63  }
0xdb: {  	_ =	swait.ge [sflag:s16], $0x4000  }
0xdc: {  	[sflag:s16] =	ssyncset.done $0x0  }
0xdd: {  	[sflag:s16] =	ssyncadd.s32 $0xFFFFC000  }
0xde: {  	[spmem:s3] =	stream.indirect.scatter.add.f32 [tilespmem:s14], [sflag:$0x3], $0x80, s28, s13, $0xb8;
	[tilespmem:$0x1C400] =	vst v63  }
0xdf: {  	_ =	swait.ge [sflag:s17], $0x4000  }
0xe0: {  	[sflag:s17] =	ssyncset.done $0x0  }
0xe1: {  	[sflag:s17] =	ssyncadd.s32 $0xFFFFC000  }
0xe2: {  	[tilespmem:s14], [sflag:$0x1] =	stream.indirect.gather [hbm4b:s1+s13], $0x80, s29, s13, $0xb8;
	[tilespmem:$0x1C400] =	vst v63  }
0xe3: {  	_ =	swait.ge [sflag:s19], $0x4000  }
0xe4: {  	[sflag:s19] =	ssyncset.done $0x0  }
0xe5: {  	[sflag:s19] =	ssyncadd.s32 $0xFFFFC000  }
0xe6: {  	[spmem:s3] =	stream.indirect.scatter.add.f32 [tilespmem:s15], [sflag:$0x4], $0x80, s30, s13, $0xb8;
	[tilespmem:$0x1C400] =	vst v63  }
0xe7: {  	_ =	swait.ge [sflag:s21], $0x4000  }
0xe8: {  	[sflag:s21] =	ssyncset.done $0x0  }
0xe9: {  	[sflag:s21] =	ssyncadd.s32 $0xFFFFC000  }
0xea: {  	[tilespmem:s15], [sflag:$0x2] =	stream.indirect.gather [hbm4b:s1+s13], $0x80, s31, s13, $0xb8;
	[tilespmem:$0x1C400] =	vst v63  }
0xeb: {  	_ =	swait.ge [sflag:s16], $0x4000  }
0xec: {  	[sflag:s16] =	ssyncset.done $0x0  }
0xed: {  	[sflag:s16] =	ssyncadd.s32 $0xFFFFC000  }
0xee: {  	[spmem:s3] =	stream.indirect.scatter.add.f32 [tilespmem:s14], [sflag:$0x3], $0x80, s2, s13, $0xb8;
	[tilespmem:$0x1C400] =	vst v63  }
0xef: {  	_ =	swait.ge [sflag:s19], $0x4000  }
0xf0: {  	[sflag:s19] =	ssyncset.done $0x0  }
0xf1: {  	[sflag:s19] =	ssyncadd.s32 $0xFFFFC000  }
0xf2: {  	[spmem:s3] =	stream.indirect.scatter.add.f32 [tilespmem:s15], [sflag:$0x4], $0x80, s0, s13, $0xb8;
	[tilespmem:$0x1C400] =	vst v63  }
0xf3: {  	_ =	swait.ge [sflag:s17], $0x4000  }
0xf4: {  	[sflag:s17] =	ssyncset.done $0x0  }
0xf5: {  	[sflag:s17] =	ssyncadd.s32 $0xFFFFC000  }
0xf6: {  	_ =	swait.ge [sflag:s21], $0x4000  }
0xf7: {  	[sflag:s21] =	ssyncset.done $0x0  }
0xf8: {  	[sflag:s21] =	ssyncadd.s32 $0xFFFFC000  }
0xf9: {  	[bflag:$0x0] =	sbarrier.arrive $0xFFFF  }
0xfa: {  	s7 =	rddreg [dreg:$0x6]  }
0xfb: {  	s8 =	rddreg [dreg:$0x7]  }
0xfc: {  	s6 =	rddreg [dreg:$0x9]  }
0xfd: {  	[hbm:s8], [sflag:s7] =	dma.local [spmem:s6], $0x2780  }
0xfe: {  	_ =	swait.ge [sflag:s11], $0x2780  }
0xff: {  	s8 =	rddreg [dreg:$0xa]  }
0x100: {  	s10 =	rddreg [dreg:$0x8];
	s8 =	sadd.s32 $0x1, s8  }
0x101: {  	p0 =	sne.s32 s8, s10  }
.Ltmp1:
0x102: {  	_ = 	snop;
	(pc) =	sbr.rel @p0 .LBB2_1-.Ltmp1, $3  }
0x103: {  	_ =	sdelay $0x1  }
0x104: {  	[sflag:s11] =	ssyncset.done $0x0  }
0x105: {  	[sflag:s11] =	ssyncadd.s32 $0xFFFFD880  }
0x106: {  	_ =	sfence.sel $0x180000  }
0x107: {  	[bflag:$0x0] =	sbarrier.arrive $0xFFFF  }
0x108: {  	_ =	strace $0x9000004A  }
0x109: {  	s0 =	stileid.u32;
	[bflag:$0x2] =	sbarrier.arrive $0xFFFF  }
0x10a: {  	p0 =	sne.s32 s0, $0x0;
	s0 =	rddreg [dreg:$0x3]  }
0x10b: {  	s0 =	sadd.s32 @!p0 $0x100000, s0  }
0x10c: {  	[sflag:s0] =	ssyncadd.tile.s32 @!p0 $0x1;
	_ =	shalt  }
.Lfunc_end2:
_tile_overlayer_lowered:
.L_overlay_start_2:
0x10d: {  	(tag) =	ssettag $0x2  }
0x10e: {  	s0 =	rddreg [dreg:$0x0];
	s2 =	stileid.u32  }
0x10f: {  	s1 =	rddreg [dreg:$0x1];
	p0 =	sne.s32 s2, $0x0  }
0x110: {  	s3 =	rddreg [dreg:$0x2];
	[bflag:$0x3] =	sbarrier.arrive $0xFFFF;
	s2 =	simm.s32 @!p0 $0x1C05  }
0x111: {  	[timem:s3], [sflag:s2] =	dma.local @!p0 [hbm:s0], s1  }
0x112: {  	s0 =	simm.s32 @!p0 $0x5  }
0x113: {  	_ =	swait.ge @!p0 [sflag:s0], s1  }
0x114: {  	s1 =	ssub.s32 @!p0 $0x0, s1;
	[sflag:s0] =	ssyncset.done @!p0 $0x0  }
0x115: {  	[sflag:s0] =	ssyncadd.s32 @!p0 s1  }
0x116: {  	[bflag:$0x3] =	sbarrier.arrive $0xFFFF  }
0x117: {  	_ =	shalt  }

// kernel: kernel.8.cloned.1.call-start
scs
__scs_entry_jumppad:
0x0: {  	(pc) =	sbr.rel $0x88, $3  }
0x1: {  	(tag) =	ssettag $0x0;
	lr =	simm.s32 $0x1  }
0x2: {  	[smem:$0x3F99] =	sst lr;
	_ =	strace $0xD0000000  }
0x3: {  	_ = 	snop  }
0x4: {  	_ = 	snop  }
0x5: {  	_ = 	snop  }
0x6: {  	_ = 	snop  }
0x7: {  	_ = 	snop  }
__scs_overlays_trampoline_lowered:
0x8: {  	[smem:$0x3FA8] =	sst s0  }
0x9: {  	[smem:$0x3FA9] =	sst s1  }
0xa: {  	[smem:$0x3FAA] =	sst s2  }
0xb: {  	[smem:$0x3FAB] =	sst s3  }
0xc: {  	[smem:$0x3FAC] =	sst s4  }
0xd: {  	[smem:$0x3FAD] =	sst s5  }
0xe: {  	[smem:$0x3FAE] =	sst s6  }
0xf: {  	[smem:$0x3FAF] =	sst s7  }
0x10: {  	[smem:$0x3FB0] =	sst s8  }
0x11: {  	[smem:$0x3FB1] =	sst s9;
	s0 =	simm.s32 @!p0 $0x0  }
0x12: {  	s1 =	sld [smem:$0x3F97];
	s0 =	simm.s32 @p0 $0x1  }
0x13: {  	[smem:$0x3FB2] =	sst s0;
	s0 =	simm.s32 @!p1 $0x0  }
0x14: {  	s2 =	sld [smem:$0x3F96];
	s0 =	simm.s32 @p1 $0x1  }
0x15: {  	[smem:$0x3FB3] =	sst s0;
	s0 =	simm.s32 @!p2 $0x0  }
0x16: {  	s3 =	sld [smem:$0x3FDB];
	s0 =	simm.s32 @p2 $0x1  }
0x17: {  	s4 =	simm.s32 $0x1BF5;
	[smem:$0x3FB5] =	sst s0  }
0x18: {  	s0 =	sld [smem:$0x3F98];
	_ =	swait.ge [sflag:s4], $0x0  }
0x19: {  	s7 =	sld [smem:$0x3F99]  }
0x1a: {  	s8 =	sadd.s32 $0xFFFFE003, lr  }
0x1b: {  	s9 =	sadd.s32 $0xFFFFFEF7, lr;
	s5 =	simm.s32 $0xFFFFFFFF;
	p2 =	slt.u32 s8, $0xFFFFF086  }
0x1c: {  	p1 =	slt.u32 s9, $0xF7A;
	s5 =	simm.s32 @!p2 $0x0  }
0x1d: {  	s5 =	simm.s32 @p1 $0x1;
	p0 =	seq.s32 s7, s2  }
0x1e: {  	s7 =	smul.u32 @!p0 $0xF7A, s2;
	p2 =	seq.s32 @!p0 s5, $0x0  }
0x1f: {  	s9 =	smul.u32 $0xF7A, s1;
	s8 =	simm.s32 @!p0 $0x1BF5;
	p2 =	por !p2, p0  }
0x20: {  	[sflag:s8] =	ssyncset.s32 @!p0 $0xFFFFF086;
	s6 =	sadd.s32 @!p0 s3, s7;
	s7 =	simm.s32 @!p0 $0x108  }
0x21: {  	s3 =	sadd.s32 s3, s9;
	s6 =	sadd.s32 @!p0 $0x88, s6;
	s7 =	simm.s32 @p2 $0x1082  }
0x22: {  	[simem:s7], [sflag:s8] =	dma.local @!p0 [hbm:s6], $0xF7A  }
0x23: {  	s9 =	sor.u32 $0xD0000000, s2;
	s6 =	simm.s32 $0x108;
	_ =	swait.ge @!p0 [sflag:s8], $0x0  }
0x24: {  	s3 =	sadd.s32 $0x88, s3;
	s6 =	simm.s32 @!p1 $0x1082;
	[sflag:s4] =	ssyncset.s32 $0xFFFFF086  }
0x25: {  	[simem:s6], [sflag:s4] =	dma.local [hbm:s3], $0xF7A  }
0x26: {  	[smem:$0x3F99] =	sst s1;
	(tag) =	ssettag s2;
	_ =	strace s9  }
0x27: {  	s1 =	sld [smem:$0x3FA9]  }
0x28: {  	s2 =	sld [smem:$0x3FAA]  }
0x29: {  	s4 =	sld [smem:$0x3FAC]  }
0x2a: {  	p0 =	seq.s32 s5, $0x0;
	s5 =	sld [smem:$0x3FAD]  }
0x2b: {  	s6 =	sld [smem:$0x3FAE]  }
0x2c: {  	s7 =	sld [smem:$0x3FAF]  }
0x2d: {  	s3 =	simm.s32 $0x108;
	s8 =	sld [smem:$0x3FB0]  }
0x2e: {  	s3 =	simm.s32 @!p0 $0x1082;
	s9 =	sld [smem:$0x3FB1]  }
0x2f: {  	lr =	sadd.s32 s0, s3;
	s0 =	sld [smem:$0x3FA8]  }
0x30: {  	s3 =	sld [smem:$0x3FAB]  }
0x31: {  	[smem:$0x3FB4] =	sst s10  }
0x32: {  	s10 =	sld [smem:$0x3FB2];
	_ =	sdelay $0x3  }
0x33: {  	p0 =	seq.s32 s10, $0x1;
	s10 =	sld [smem:$0x3FB4];
	_ =	sdelay $0x3  }
0x34: {  	[smem:$0x3FB4] =	sst s10  }
0x35: {  	s10 =	sld [smem:$0x3FB3];
	_ =	sdelay $0x3  }
0x36: {  	p1 =	seq.s32 s10, $0x1;
	s10 =	sld [smem:$0x3FB4];
	_ =	sdelay $0x3  }
0x37: {  	[smem:$0x3FB4] =	sst s10  }
0x38: {  	s10 =	sld [smem:$0x3FB5]  }
0x39: {  	_ = 	snop;
	(pc) =	sbr.ind lr, $3  }
0x3a: {  	_ = 	snop  }
0x3b: {  	_ = 	snop  }
0x3c: {  	p2 =	seq.s32 s10, $0x1;
	s10 =	sld [smem:$0x3FB4]  }
0x3d: {  	_ =	shalt  }
0x3e: {  	_ =	shalt  }
0x3f: {  	_ =	shalt  }
0x40: {  	_ =	shalt  }
0x41: {  	_ =	shalt  }
0x42: {  	_ =	shalt  }
0x43: {  	_ =	shalt  }
0x44: {  	_ =	shalt  }
0x45: {  	_ =	shalt  }
0x46: {  	_ =	shalt  }
0x47: {  	_ =	shalt  }
0x48: {  	_ =	shalt  }
0x49: {  	_ =	shalt  }
0x4a: {  	_ =	shalt  }
0x4b: {  	_ =	shalt  }
0x4c: {  	_ =	shalt  }
0x4d: {  	_ =	shalt  }
0x4e: {  	_ =	shalt  }
0x4f: {  	_ =	shalt  }
0x50: {  	_ =	shalt  }
0x51: {  	_ =	shalt  }
0x52: {  	_ =	shalt  }
0x53: {  	_ =	shalt  }
0x54: {  	_ =	shalt  }
0x55: {  	_ =	shalt  }
0x56: {  	_ =	shalt  }
0x57: {  	_ =	shalt  }
0x58: {  	_ =	shalt  }
0x59: {  	_ =	shalt  }
0x5a: {  	_ =	shalt  }
0x5b: {  	_ =	shalt  }
0x5c: {  	_ =	shalt  }
0x5d: {  	_ =	shalt  }
0x5e: {  	_ =	shalt  }
0x5f: {  	_ =	shalt  }
0x60: {  	_ =	shalt  }
0x61: {  	_ =	shalt  }
0x62: {  	_ =	shalt  }
0x63: {  	_ =	shalt  }
0x64: {  	_ =	shalt  }
0x65: {  	_ =	shalt  }
0x66: {  	_ =	shalt  }
0x67: {  	_ =	shalt  }
0x68: {  	_ =	shalt  }
0x69: {  	_ =	shalt  }
0x6a: {  	_ =	shalt  }
0x6b: {  	_ =	shalt  }
0x6c: {  	_ =	shalt  }
0x6d: {  	_ =	shalt  }
0x6e: {  	_ =	shalt  }
0x6f: {  	_ =	shalt  }
0x70: {  	_ =	shalt  }
0x71: {  	_ =	shalt  }
0x72: {  	_ =	shalt  }
0x73: {  	_ =	shalt  }
0x74: {  	_ =	shalt  }
0x75: {  	_ =	shalt  }
0x76: {  	_ =	shalt  }
0x77: {  	_ =	shalt  }
0x78: {  	_ =	shalt  }
0x79: {  	_ =	shalt  }
0x7a: {  	_ =	shalt  }
0x7b: {  	_ =	shalt  }
0x7c: {  	_ =	shalt  }
0x7d: {  	_ =	shalt  }
0x7e: {  	_ =	shalt  }
0x7f: {  	_ =	shalt  }
0x80: {  	_ =	shalt  }
0x81: {  	_ =	shalt  }
0x82: {  	_ =	shalt  }
0x83: {  	_ =	shalt  }
0x84: {  	_ =	shalt  }
0x85: {  	_ =	shalt  }
0x86: {  	_ =	shalt  }
0x87: {  	_ =	shalt  }
.Lfunc_end0:
.L_simem_size_0:
called_computation_lowered:
.L_overlay_start_0:
0x88: {  	s2 =	sld [smem:$0x3FD9]  }
0x89: {  	s3 =	sld [smem:$0x3FFE];
	_ =	sdelay $0x1  }
0x8a: {  	s1 =	srdreg.scid  }
0x8b: {  	s0 =	sand.u32 $0x1, s1  }
0x8c: {  	s17 =	sshll.u32 s0, $0xA;
	s2 =	sadd.s32 s3, s2  }
0x8d: {  	s2 =	sadd.s32 s2, s17  }
0x8e: {  	[smem:$0x3FC0] =	sst s2  }
0x8f: {  	_ = 	snop  }
0x90: {  	s2 =	sld [smem:$0x3FD0];
	(tm) =	ssettm $0x1  }
0x91: {  	s18 =	sld [smem:$0x3FFB];
	_ =	sdelay $0x3  }
0x92: {  	_ =	strace s18  }
0x93: {  	s3 =	sld [smem:$0x3FFC];
	_ =	sdelay $0x3  }
0x94: {  	_ =	strace s3  }
0x95: {  	s3 =	sld [smem:$0x3FFD];
	_ =	sdelay $0x3  }
0x96: {  	_ =	strace s3  }
0x97: {  	_ =	strace $0x8FFFFFFF  }
0x98: {  	s19 =	sld [smem:$0x3FDB];
	_ =	sdelay $0x1  }
0x99: {  	s4 =	simm.s32 $_scs_section_size  }
0x9a: {  	s5 =	simm.s32 $_size__tile_overlayer_lowered;
	s6 =	simm.s32 $_tile_overlayer_lowered  }
0x9b: {  	s22 =	simm.s32 $0x1BFF;
	s21 =	sshll.u32 s6, $0x1;
	s3 =	sadd.s32 s4, s19  }
0x9c: {  	s7 =	simm.s32 $0x0;
	s20 =	sshll.u32 s5, $0x1;
	s5 =	sadd.s32 s21, s3  }
0x9d: {  	[timem:s7], [sflag:s22] =	dma.local [hbm:s5], s20  }
0x9e: {  	_ =	swait.ge [sflag:s22], s20  }
0x9f: {  	s4 =	ssub.s32 $0x0, s20;
	[sflag:s22] =	ssyncset.done $0x0  }
0xa0: {  	[sflag:s22] =	ssyncadd.s32 s4;
	_ =	sdelay $0x1  }
0xa1: {  	s23 =	simm.s32 $0x1B8B  }
0xa2: {  	_ =	swait.ge [sflag:s23], $0x1  }
0xa3: {  	[sflag:s23] =	ssyncset.done $0x0  }
0xa4: {  	s25 =	simm.s32 $0x1B8E;
	s24 =	sld [smem:$0x3FFE];
	[sflag:s23] =	ssyncadd.s32 $0xFFFFFFFF  }
0xa5: {  	s26 =	simm.s32 $execute0_lowered;
	[smem:$0x3FD2] =	sst s25  }
0xa6: {  	s5 =	sshll.u32 s26, $0x1;
	_ =	strace $0x80000046;
	[dreg:$0x1] =	wrdreg $0xFFFFFFFF  }
0xa7: {  	s28 =	simm.s32 $_size_execute0_lowered;
	s3 =	sadd.s32 s3, s5;
	[dreg:$0x0] =	wrdreg $0x0  }
0xa8: {  	s5 =	sshll.u32 s28, $0x1;
	[dreg:$0x2] =	wrdreg s3  }
0xa9: {  	[dreg:$0x3] =	wrdreg s5  }
0xaa: {  	[dreg:$0x4] =	wrdreg $0xC0  }
0xab: {  	_ =	task [dreg:s7], $0x5FFFF  }
0xac: {  	[dreg:$0x1] =	wrdreg $0xFFFFFFFF  }
0xad: {  	[dreg:$0x0] =	wrdreg $0x60  }
0xae: {  	[dreg:$0x2] =	wrdreg s2  }
0xaf: {  	[dreg:$0x3] =	wrdreg s24  }
0xb0: {  	[dreg:$0x4] =	wrdreg $0x88000  }
0xb1: {  	[dreg:$0x5] =	wrdreg $0x9  }
0xb2: {  	_ =	task.clear_ibuf [dreg:s7], $0x6FFFF;
	_ =	strace $0x90000046  }
0xb3: {  	s29 =	simm.s32 $0x9;
	_ =	strace $0x80000048  }
0xb4: {  	_ =	swait.ge [sflag:s29], $0x1  }
0xb5: {  	[sflag:s29] =	ssyncadd.s32 $0xFFFFFFFF  }
0xb6: {  	_ =	strace $0x90000048  }
0xb7: {  	_ =	sfence  }
0xb8: {  	s30 =	sld [smem:$0x0];
	_ =	sdelay $0x2  }
0xb9: {  	s31 =	sshll.u32 s1, $0xD;
	s1 =	sshrl.u32 s1, $0x2  }
0xba: {  	s3 =	sand.u32 $0x4000, s31;
	s1 =	sadd.s32 s1, s30  }
0xbb: {  	s0 =	sor.u32 s3, s0;
	s1 =	sshll.u32 s1, $0x11  }
0xbc: {  	s0 =	sor.u32 s1, s0  }
0xbd: {  	s0 =	sadd.s32 $0x8F2B, s0  }
0xbe: {  	[sflag:s0] =	ssyncadd.remote.s32 $0x1  }
0xbf: {  	_ =	sfence.sel $0xFFFF  }
0xc0: {  	[dreg:$0x0] =	wrdreg $0xFFFFFFFF;
	(pc) =	sbr.abs _section_cstart, $3  }
0xc1: {  	[dreg:$0x1] =	wrdreg $0xFFFFFFFF  }
0xc2: {  	_ =	task.clear_ibuf [dreg:s7], $0x2FFFF;
	_ =	strace $0x9FFFFFFF  }
0xc3: {  	(tm) =	ssettm $0x7FFFFFFF  }
tec
execute0_lowered:
.L_overlay_start_1:
0x0: {  	(tag) =	ssettag $0x1  }
0x1: {  	s1 =	rddreg [dreg:$0x0];
	s0 =	srdreg.scid  }
0x2: {  	s2 =	rddreg [dreg:$0x1];
	s10 =	stileid.u32  }
0x3: {  	s3 =	rddreg [dreg:$0x2];
	s4 =	simm.s32 $0x0;
	s11 =	simm.s32 $0x5  }
0x4: {  	s12 =	simm.s32 $0x400;
	s13 =	simm.s32 $0x80;
	s14 =	simm.s32 $0x800  }
0x5: {  	s15 =	simm.s32 $0x4800;
	s16 =	simm.s32 $0x1;
	s17 =	simm.s32 $0x3  }
0x6: {  	s18 =	simm.s32 $0x100;
	s19 =	simm.s32 $0x2;
	s6 =	smul.u32 $0x2800, s10  }
0x7: {  	s20 =	simm.s32 $0x480;
	s28 =	simm.s32 $0x600;
	s21 =	smul.u32 $0x13C00, s10  }
0x8: {  	s29 =	simm.s32 $0x300;
	s0 =	sand.u32 $0x1, s0;
	s22 =	smul.u32 $0x4F000, s10  }
0x9: {  	s30 =	simm.s32 $0x680;
	s31 =	simm.s32 $0x380;
	s5 =	smul.u32 $0x28000, s0  }
0xa: {  	[smem:$0x7FF] =	sst s4;
	s25 =	sshll.u32 s10, $0x6;
	s7 =	smul.u32 $0x13C000, s0  }
0xb: {  	_ =	strace $0x80000047;
	s0 =	ssub.s32 $0x2, s0;
	s8 =	sshrl.u32 s21, $0x3  }
0xc: {  	s9 =	sshrl.u32 s0, $0x1;
	s23 =	sshrl.u32 s22, $0x2;
	s22 =	simm.s32 $0x180  }
0xd: {  	s5 =	sadd.s32 s6, s5;
	s6 =	sadd.s32 s21, s7;
	s8 =	sadd.s32 s8, s2  }
0xe: {  	s0 =	ssub.s32 s0, s9;
	s7 =	sor.u32 $0x1C05, s25;
	s21 =	simm.s32 $0x4  }
0xf: {  	s25 =	simm.s32 $0x580;
	s5 =	sshrl.u32 s5, $0x3;
	s6 =	sshrl.u32 s6, $0x3  }
0x10: {  	s24 =	sadd.s32 $0x15C00, s8;
	s0 =	smax.u32 s0, $0x1;
	[dreg:$0x6] =	wrdreg s7  }
0x11: {  	s8 =	simm.s32 $0x0;
	s5 =	sadd.s32 s5, s2;
	[dreg:$0x5] =	wrdreg s24  }
0x12: {  	s2 =	sadd.s32 s6, s2;
	s6 =	sadd.s32 s23, s3;
	[dreg:$0x8] =	wrdreg s0  }
0x13: {  	s23 =	simm.s32 $0x500;
	s24 =	simm.s32 $0x200;
	s2 =	sadd.s32 $0x3D400, s2  }
0x14: {  	s0 =	simm.s32 $0x780;
	s26 =	sadd.s32 $0x1C00, s5;
	[dreg:$0x7] =	wrdreg s2  }
0x15: {  	s9 =	sadd.s32 $0xBC00, s5;
	s6 =	sshrl.u32 s6, $0x3;
	[dreg:$0x4] =	wrdreg s26  }
0x16: {  	s26 =	simm.s32 $0x280;
	s2 =	simm.s32 $0x700;
	[dreg:$0x9] =	wrdreg s6  }
.LBB2_1:
0x17: {  	[dreg:$0xa] =	wrdreg s8  }
0x18: {  	s5 =	rddreg [dreg:$0x5]  }
0x19: {  	[spmem:s6], [sflag:s7] =	dma.local [hbm:s5], $0x2780  }
0x1a: {  	_ =	swait.ge [sflag:s11], $0x2780  }
0x1b: {  	[sflag:s11] =	ssyncset.done $0x0  }
0x1c: {  	[sflag:s11] =	ssyncadd.s32 $0xFFFFD880  }
0x1d: {  	s8 =	sadd.s32 $0x0, s9;
	[bflag:$0x0] =	sbarrier.arrive $0xFFFF  }
0x1e: {  	[tilespmem:s4], [sflag:$0x5] =	stream.linear.gather [hbm4b:s8+s4], $0x400, $0x38;
	[tilespmem:$0x1C400] =	vst v63  }
0x1f: {  	_ =	swait.ge [sflag:s11], $0x400  }
0x20: {  	s10 =	rddreg [dreg:$0x4];
	[sflag:s11] =	ssyncset.done $0x0  }
0x21: {  	[sflag:s11] =	ssyncadd.s32 $0xFFFFFC00;
	s6 =	sadd.s32 $0x0, s10  }
0x22: {  	[tilespmem:s12], [sflag:$0x5] =	stream.linear.gather [hbm4b:s6+s4], $0x400, $0x38;
	[tilespmem:$0x1C400] =	vst v63  }
0x23: {  	_ =	swait.ge [sflag:s11], $0x400  }
0x24: {  	[sflag:s11] =	ssyncset.done $0x0  }
0x25: {  	[sflag:s11] =	ssyncadd.s32 $0xFFFFFC00  }
0x26: {  	[tilespmem:s14], [sflag:$0x1] =	stream.indirect.gather [hbm4b:s1+s13], $0x80, s4, s13, $0xb8;
	[tilespmem:$0x1C400] =	vst v63  }
0x27: {  	_ = 	snop  }
0x28: {  	[tilespmem:s15], [sflag:$0x2] =	stream.indirect.gather [hbm4b:s1+s13], $0x80, s13, s13, $0xb8;
	[tilespmem:$0x1C400] =	vst v63  }
0x29: {  	_ =	swait.ge [sflag:s16], $0x4000  }
0x2a: {  	[sflag:s16] =	ssyncset.done $0x0  }
0x2b: {  	[sflag:s16] =	ssyncadd.s32 $0xFFFFC000  }
0x2c: {  	[spmem:s3] =	stream.indirect.scatter.add.f32 [tilespmem:s14], [sflag:$0x3], $0x80, s12, s13, $0xb8;
	[tilespmem:$0x1C400] =	vst v63  }
0x2d: {  	_ =	swait.ge [sflag:s17], $0x4000  }
0x2e: {  	[sflag:s17] =	ssyncset.done $0x0  }
0x2f: {  	[sflag:s17] =	ssyncadd.s32 $0xFFFFC000  }
0x30: {  	[tilespmem:s14], [sflag:$0x1] =	stream.indirect.gather [hbm4b:s1+s13], $0x80, s18, s13, $0xb8;
	[tilespmem:$0x1C400] =	vst v63  }
0x31: {  	_ =	swait.ge [sflag:s19], $0x4000  }
0x32: {  	[sflag:s19] =	ssyncset.done $0x0  }
0x33: {  	[sflag:s19] =	ssyncadd.s32 $0xFFFFC000  }
0x34: {  	[spmem:s3] =	stream.indirect.scatter.add.f32 [tilespmem:s15], [sflag:$0x4], $0x80, s20, s13, $0xb8;
	[tilespmem:$0x1C400] =	vst v63  }
0x35: {  	_ =	swait.ge [sflag:s21], $0x4000  }
0x36: {  	[sflag:s21] =	ssyncset.done $0x0  }
0x37: {  	[sflag:s21] =	ssyncadd.s32 $0xFFFFC000  }
0x38: {  	[tilespmem:s15], [sflag:$0x2] =	stream.indirect.gather [hbm4b:s1+s13], $0x80, s22, s13, $0xb8;
	[tilespmem:$0x1C400] =	vst v63  }
0x39: {  	_ =	swait.ge [sflag:s16], $0x4000  }
0x3a: {  	[sflag:s16] =	ssyncset.done $0x0  }
0x3b: {  	[sflag:s16] =	ssyncadd.s32 $0xFFFFC000  }
0x3c: {  	[spmem:s3] =	stream.indirect.scatter.add.f32 [tilespmem:s14], [sflag:$0x3], $0x80, s23, s13, $0xb8;
	[tilespmem:$0x1C400] =	vst v63  }
0x3d: {  	_ =	swait.ge [sflag:s17], $0x4000  }
0x3e: {  	[sflag:s17] =	ssyncset.done $0x0  }
0x3f: {  	[sflag:s17] =	ssyncadd.s32 $0xFFFFC000  }
0x40: {  	[tilespmem:s14], [sflag:$0x1] =	stream.indirect.gather [hbm4b:s1+s13], $0x80, s24, s13, $0xb8;
	[tilespmem:$0x1C400] =	vst v63  }
0x41: {  	_ =	swait.ge [sflag:s19], $0x4000  }
0x42: {  	[sflag:s19] =	ssyncset.done $0x0  }
0x43: {  	[sflag:s19] =	ssyncadd.s32 $0xFFFFC000  }
0x44: {  	[spmem:s3] =	stream.indirect.scatter.add.f32 [tilespmem:s15], [sflag:$0x4], $0x80, s25, s13, $0xb8;
	[tilespmem:$0x1C400] =	vst v63  }
0x45: {  	_ =	swait.ge [sflag:s21], $0x4000  }
0x46: {  	[sflag:s21] =	ssyncset.done $0x0  }
0x47: {  	[sflag:s21] =	ssyncadd.s32 $0xFFFFC000  }
0x48: {  	[tilespmem:s15], [sflag:$0x2] =	stream.indirect.gather [hbm4b:s1+s13], $0x80, s26, s13, $0xb8;
	[tilespmem:$0x1C400] =	vst v63  }
0x49: {  	_ =	swait.ge [sflag:s16], $0x4000  }
0x4a: {  	[sflag:s16] =	ssyncset.done $0x0  }
0x4b: {  	[sflag:s16] =	ssyncadd.s32 $0xFFFFC000  }
0x4c: {  	[spmem:s3] =	stream.indirect.scatter.add.f32 [tilespmem:s14], [sflag:$0x3], $0x80, s28, s13, $0xb8;
	[tilespmem:$0x1C400] =	vst v63  }
0x4d: {  	_ =	swait.ge [sflag:s17], $0x4000  }
0x4e: {  	[sflag:s17] =	ssyncset.done $0x0  }
0x4f: {  	[sflag:s17] =	ssyncadd.s32 $0xFFFFC000  }
0x50: {  	[tilespmem:s14], [sflag:$0x1] =	stream.indirect.gather [hbm4b:s1+s13], $0x80, s29, s13, $0xb8;
	[tilespmem:$0x1C400] =	vst v63  }
0x51: {  	_ =	swait.ge [sflag:s19], $0x4000  }
0x52: {  	[sflag:s19] =	ssyncset.done $0x0  }
0x53: {  	[sflag:s19] =	ssyncadd.s32 $0xFFFFC000  }
0x54: {  	[spmem:s3] =	stream.indirect.scatter.add.f32 [tilespmem:s15], [sflag:$0x4], $0x80, s30, s13, $0xb8;
	[tilespmem:$0x1C400] =	vst v63  }
0x55: {  	_ =	swait.ge [sflag:s21], $0x4000  }
0x56: {  	[sflag:s21] =	ssyncset.done $0x0  }
0x57: {  	[sflag:s21] =	ssyncadd.s32 $0xFFFFC000  }
0x58: {  	[tilespmem:s15], [sflag:$0x2] =	stream.indirect.gather [hbm4b:s1+s13], $0x80, s31, s13, $0xb8;
	[tilespmem:$0x1C400] =	vst v63  }
0x59: {  	_ =	swait.ge [sflag:s16], $0x4000  }
0x5a: {  	[sflag:s16] =	ssyncset.done $0x0  }
0x5b: {  	[sflag:s16] =	ssyncadd.s32 $0xFFFFC000  }
0x5c: {  	[spmem:s3] =	stream.indirect.scatter.add.f32 [tilespmem:s14], [sflag:$0x3], $0x80, s2, s13, $0xb8;
	[tilespmem:$0x1C400] =	vst v63  }
0x5d: {  	_ =	swait.ge [sflag:s19], $0x4000  }
0x5e: {  	[sflag:s19] =	ssyncset.done $0x0  }
0x5f: {  	[sflag:s19] =	ssyncadd.s32 $0xFFFFC000  }
0x60: {  	[spmem:s3] =	stream.indirect.scatter.add.f32 [tilespmem:s15], [sflag:$0x4], $0x80, s0, s13, $0xb8;
	[tilespmem:$0x1C400] =	vst v63  }
0x61: {  	_ =	swait.ge [sflag:s17], $0x4000  }
0x62: {  	[sflag:s17] =	ssyncset.done $0x0  }
0x63: {  	[sflag:s17] =	ssyncadd.s32 $0xFFFFC000  }
0x64: {  	_ =	swait.ge [sflag:s21], $0x4000  }
0x65: {  	s7 =	simm.s32 $0x80;
	s8 =	simm.s32 $0x100;
	[sflag:s21] =	ssyncset.done $0x0  }
.LBB2_2:
0x66: {  	s10 =	sadd.s32 s7, s9;
	[sflag:s21] =	ssyncadd.s32 $0xFFFFC000  }
0x67: {  	[tilespmem:s4], [sflag:$0x5] =	stream.linear.gather [hbm4b:s10+s4], $0x400, $0x38;
	[tilespmem:$0x1C400] =	vst v63  }
0x68: {  	s5 =	smov.u32 s8;
	_ =	swait.ge [sflag:s11], $0x400  }
0x69: {  	s6 =	sadd.s32 $0x80, s8;
	s10 =	rddreg [dreg:$0x4];
	[sflag:s11] =	ssyncset.done $0x0  }
0x6a: {  	p0 =	sne.s32 s8, $0x480;
	[sflag:s11] =	ssyncadd.s32 $0xFFFFFC00;
	s8 =	sadd.s32 s7, s10  }
0x6b: {  	[tilespmem:s12], [sflag:$0x5] =	stream.linear.gather [hbm4b:s8+s4], $0x400, $0x38;
	[tilespmem:$0x1C400] =	vst v63  }
0x6c: {  	_ =	swait.ge [sflag:s11], $0x400  }
0x6d: {  	[sflag:s11] =	ssyncset.done $0x0  }
0x6e: {  	[sflag:s11] =	ssyncadd.s32 $0xFFFFFC00  }
0x6f: {  	[tilespmem:s14], [sflag:$0x1] =	stream.indirect.gather [hbm4b:s1+s13], $0x80, s4, s13, $0xb8;
	[tilespmem:$0x1C400] =	vst v63  }
0x70: {  	_ = 	snop  }
0x71: {  	[tilespmem:s15], [sflag:$0x2] =	stream.indirect.gather [hbm4b:s1+s13], $0x80, s13, s13, $0xb8;
	[tilespmem:$0x1C400] =	vst v63  }
0x72: {  	_ =	swait.ge [sflag:s16], $0x4000  }
0x73: {  	[sflag:s16] =	ssyncset.done $0x0  }
0x74: {  	[sflag:s16] =	ssyncadd.s32 $0xFFFFC000  }
0x75: {  	[spmem:s3] =	stream.indirect.scatter.add.f32 [tilespmem:s14], [sflag:$0x3], $0x80, s12, s13, $0xb8;
	[tilespmem:$0x1C400] =	vst v63  }
0x76: {  	_ =	swait.ge [sflag:s17], $0x4000  }
0x77: {  	[sflag:s17] =	ssyncset.done $0x0  }
0x78: {  	[sflag:s17] =	ssyncadd.s32 $0xFFFFC000  }
0x79: {  	[tilespmem:s14], [sflag:$0x1] =	stream.indirect.gather [hbm4b:s1+s13], $0x80, s18, s13, $0xb8;
	[tilespmem:$0x1C400] =	vst v63  }
0x7a: {  	_ =	swait.ge [sflag:s19], $0x4000  }
0x7b: {  	[sflag:s19] =	ssyncset.done $0x0  }
0x7c: {  	[sflag:s19] =	ssyncadd.s32 $0xFFFFC000  }
0x7d: {  	[spmem:s3] =	stream.indirect.scatter.add.f32 [tilespmem:s15], [sflag:$0x4], $0x80, s20, s13, $0xb8;
	[tilespmem:$0x1C400] =	vst v63  }
0x7e: {  	_ =	swait.ge [sflag:s21], $0x4000  }
0x7f: {  	[sflag:s21] =	ssyncset.done $0x0  }
0x80: {  	[sflag:s21] =	ssyncadd.s32 $0xFFFFC000  }
0x81: {  	[tilespmem:s15], [sflag:$0x2] =	stream.indirect.gather [hbm4b:s1+s13], $0x80, s22, s13, $0xb8;
	[tilespmem:$0x1C400] =	vst v63  }
0x82: {  	_ =	swait.ge [sflag:s16], $0x4000  }
0x83: {  	[sflag:s16] =	ssyncset.done $0x0  }
0x84: {  	[sflag:s16] =	ssyncadd.s32 $0xFFFFC000  }
0x85: {  	[spmem:s3] =	stream.indirect.scatter.add.f32 [tilespmem:s14], [sflag:$0x3], $0x80, s23, s13, $0xb8;
	[tilespmem:$0x1C400] =	vst v63  }
0x86: {  	_ =	swait.ge [sflag:s17], $0x4000  }
0x87: {  	[sflag:s17] =	ssyncset.done $0x0  }
0x88: {  	[sflag:s17] =	ssyncadd.s32 $0xFFFFC000  }
0x89: {  	[tilespmem:s14], [sflag:$0x1] =	stream.indirect.gather [hbm4b:s1+s13], $0x80, s24, s13, $0xb8;
	[tilespmem:$0x1C400] =	vst v63  }
0x8a: {  	_ =	swait.ge [sflag:s19], $0x4000  }
0x8b: {  	[sflag:s19] =	ssyncset.done $0x0  }
0x8c: {  	[sflag:s19] =	ssyncadd.s32 $0xFFFFC000  }
0x8d: {  	[spmem:s3] =	stream.indirect.scatter.add.f32 [tilespmem:s15], [sflag:$0x4], $0x80, s25, s13, $0xb8;
	[tilespmem:$0x1C400] =	vst v63  }
0x8e: {  	_ =	swait.ge [sflag:s21], $0x4000  }
0x8f: {  	[sflag:s21] =	ssyncset.done $0x0  }
0x90: {  	[sflag:s21] =	ssyncadd.s32 $0xFFFFC000  }
0x91: {  	[tilespmem:s15], [sflag:$0x2] =	stream.indirect.gather [hbm4b:s1+s13], $0x80, s26, s13, $0xb8;
	[tilespmem:$0x1C400] =	vst v63  }
0x92: {  	_ =	swait.ge [sflag:s16], $0x4000  }
0x93: {  	[sflag:s16] =	ssyncset.done $0x0  }
0x94: {  	[sflag:s16] =	ssyncadd.s32 $0xFFFFC000  }
0x95: {  	[spmem:s3] =	stream.indirect.scatter.add.f32 [tilespmem:s14], [sflag:$0x3], $0x80, s28, s13, $0xb8;
	[tilespmem:$0x1C400] =	vst v63  }
0x96: {  	_ =	swait.ge [sflag:s17], $0x4000  }
0x97: {  	[sflag:s17] =	ssyncset.done $0x0  }
0x98: {  	[sflag:s17] =	ssyncadd.s32 $0xFFFFC000  }
0x99: {  	[tilespmem:s14], [sflag:$0x1] =	stream.indirect.gather [hbm4b:s1+s13], $0x80, s29, s13, $0xb8;
	[tilespmem:$0x1C400] =	vst v63  }
0x9a: {  	_ =	swait.ge [sflag:s19], $0x4000  }
0x9b: {  	[sflag:s19] =	ssyncset.done $0x0  }
0x9c: {  	[sflag:s19] =	ssyncadd.s32 $0xFFFFC000  }
0x9d: {  	[spmem:s3] =	stream.indirect.scatter.add.f32 [tilespmem:s15], [sflag:$0x4], $0x80, s30, s13, $0xb8;
	[tilespmem:$0x1C400] =	vst v63  }
0x9e: {  	_ =	swait.ge [sflag:s21], $0x4000  }
0x9f: {  	[sflag:s21] =	ssyncset.done $0x0  }
0xa0: {  	[sflag:s21] =	ssyncadd.s32 $0xFFFFC000  }
0xa1: {  	[tilespmem:s15], [sflag:$0x2] =	stream.indirect.gather [hbm4b:s1+s13], $0x80, s31, s13, $0xb8;
	[tilespmem:$0x1C400] =	vst v63  }
0xa2: {  	_ =	swait.ge [sflag:s16], $0x4000  }
0xa3: {  	[sflag:s16] =	ssyncset.done $0x0  }
0xa4: {  	[sflag:s16] =	ssyncadd.s32 $0xFFFFC000  }
0xa5: {  	[spmem:s3] =	stream.indirect.scatter.add.f32 [tilespmem:s14], [sflag:$0x3], $0x80, s2, s13, $0xb8;
	[tilespmem:$0x1C400] =	vst v63  }
0xa6: {  	_ =	swait.ge [sflag:s19], $0x4000  }
0xa7: {  	[sflag:s19] =	ssyncset.done $0x0  }
0xa8: {  	[sflag:s19] =	ssyncadd.s32 $0xFFFFC000  }
0xa9: {  	[spmem:s3] =	stream.indirect.scatter.add.f32 [tilespmem:s15], [sflag:$0x4], $0x80, s0, s13, $0xb8;
	[tilespmem:$0x1C400] =	vst v63  }
.Ltmp0:
0xaa: {  	_ =	swait.ge [sflag:s17], $0x4000;
	(pc) =	sbr.rel @p0 .LBB2_2-.Ltmp0, $4  }
0xab: {  	[sflag:s17] =	ssyncset.done $0x0  }
0xac: {  	[sflag:s17] =	ssyncadd.s32 $0xFFFFC000  }
0xad: {  	_ =	swait.ge [sflag:s21], $0x4000  }
0xae: {  	s7 =	smov.u32 s5;
	s8 =	smov.u32 s6;
	[sflag:s21] =	ssyncset.done $0x0  }
0xaf: {  	s5 =	sadd.s32 s7, s9;
	[sflag:s21] =	ssyncadd.s32 $0xFFFFC000  }
0xb0: {  	[tilespmem:s4], [sflag:$0x5] =	stream.linear.gather [hbm4b:s5+s4], $0x400, $0x38;
	[tilespmem:$0x1C400] =	vst v63  }
0xb1: {  	_ =	swait.ge [sflag:s11], $0x400  }
0xb2: {  	s6 =	rddreg [dreg:$0x4];
	[sflag:s11] =	ssyncset.done $0x0  }
0xb3: {  	s5 =	sadd.s32 s7, s6;
	[sflag:s11] =	ssyncadd.s32 $0xFFFFFC00  }
0xb4: {  	[tilespmem:s12], [sflag:$0x5] =	stream.linear.gather [hbm4b:s5+s4], $0x400, $0x38;
	[tilespmem:$0x1C400] =	vst v63  }
0xb5: {  	_ =	swait.ge [sflag:s11], $0x400  }
0xb6: {  	[sflag:s11] =	ssyncset.done $0x0  }
0xb7: {  	[sflag:s11] =	ssyncadd.s32 $0xFFFFFC00  }
0xb8: {  	[tilespmem:s14], [sflag:$0x1] =	stream.indirect.gather [hbm4b:s1+s13], $0x80, s4, s13, $0xb8;
	[tilespmem:$0x1C400] =	vst v63  }
0xb9: {  	_ = 	snop  }
0xba: {  	[tilespmem:s15], [sflag:$0x2] =	stream.indirect.gather [hbm4b:s1+s13], $0x80, s13, s13, $0xb8;
	[tilespmem:$0x1C400] =	vst v63  }
0xbb: {  	_ =	swait.ge [sflag:s16], $0x4000  }
0xbc: {  	[sflag:s16] =	ssyncset.done $0x0  }
0xbd: {  	[sflag:s16] =	ssyncadd.s32 $0xFFFFC000  }
0xbe: {  	[spmem:s3] =	stream.indirect.scatter.add.f32 [tilespmem:s14], [sflag:$0x3], $0x80, s12, s13, $0xb8;
	[tilespmem:$0x1C400] =	vst v63  }
0xbf: {  	_ =	swait.ge [sflag:s17], $0x4000  }
0xc0: {  	[sflag:s17] =	ssyncset.done $0x0  }
0xc1: {  	[sflag:s17] =	ssyncadd.s32 $0xFFFFC000  }
0xc2: {  	[tilespmem:s14], [sflag:$0x1] =	stream.indirect.gather [hbm4b:s1+s13], $0x80, s18, s13, $0xb8;
	[tilespmem:$0x1C400] =	vst v63  }
0xc3: {  	_ =	swait.ge [sflag:s19], $0x4000  }
0xc4: {  	[sflag:s19] =	ssyncset.done $0x0  }
0xc5: {  	[sflag:s19] =	ssyncadd.s32 $0xFFFFC000  }
0xc6: {  	[spmem:s3] =	stream.indirect.scatter.add.f32 [tilespmem:s15], [sflag:$0x4], $0x80, s20, s13, $0xb8;
	[tilespmem:$0x1C400] =	vst v63  }
0xc7: {  	_ =	swait.ge [sflag:s21], $0x4000  }
0xc8: {  	[sflag:s21] =	ssyncset.done $0x0  }
0xc9: {  	[sflag:s21] =	ssyncadd.s32 $0xFFFFC000  }
0xca: {  	[tilespmem:s15], [sflag:$0x2] =	stream.indirect.gather [hbm4b:s1+s13], $0x80, s22, s13, $0xb8;
	[tilespmem:$0x1C400] =	vst v63  }
0xcb: {  	_ =	swait.ge [sflag:s16], $0x4000  }
0xcc: {  	[sflag:s16] =	ssyncset.done $0x0  }
0xcd: {  	[sflag:s16] =	ssyncadd.s32 $0xFFFFC000  }
0xce: {  	[spmem:s3] =	stream.indirect.scatter.add.f32 [tilespmem:s14], [sflag:$0x3], $0x80, s23, s13, $0xb8;
	[tilespmem:$0x1C400] =	vst v63  }
0xcf: {  	_ =	swait.ge [sflag:s17], $0x4000  }
0xd0: {  	[sflag:s17] =	ssyncset.done $0x0  }
0xd1: {  	[sflag:s17] =	ssyncadd.s32 $0xFFFFC000  }
0xd2: {  	[tilespmem:s14], [sflag:$0x1] =	stream.indirect.gather [hbm4b:s1+s13], $0x80, s24, s13, $0xb8;
	[tilespmem:$0x1C400] =	vst v63  }
0xd3: {  	_ =	swait.ge [sflag:s19], $0x4000  }
0xd4: {  	[sflag:s19] =	ssyncset.done $0x0  }
0xd5: {  	[sflag:s19] =	ssyncadd.s32 $0xFFFFC000  }
0xd6: {  	[spmem:s3] =	stream.indirect.scatter.add.f32 [tilespmem:s15], [sflag:$0x4], $0x80, s25, s13, $0xb8;
	[tilespmem:$0x1C400] =	vst v63  }
0xd7: {  	_ =	swait.ge [sflag:s21], $0x4000  }
0xd8: {  	[sflag:s21] =	ssyncset.done $0x0  }
0xd9: {  	[sflag:s21] =	ssyncadd.s32 $0xFFFFC000  }
0xda: {  	[tilespmem:s15], [sflag:$0x2] =	stream.indirect.gather [hbm4b:s1+s13], $0x80, s26, s13, $0xb8;
	[tilespmem:$0x1C400] =	vst v63  }
0xdb: {  	_ =	swait.ge [sflag:s16], $0x4000  }
0xdc: {  	[sflag:s16] =	ssyncset.done $0x0  }
0xdd: {  	[sflag:s16] =	ssyncadd.s32 $0xFFFFC000  }
0xde: {  	[spmem:s3] =	stream.indirect.scatter.add.f32 [tilespmem:s14], [sflag:$0x3], $0x80, s28, s13, $0xb8;
	[tilespmem:$0x1C400] =	vst v63  }
0xdf: {  	_ =	swait.ge [sflag:s17], $0x4000  }
0xe0: {  	[sflag:s17] =	ssyncset.done $0x0  }
0xe1: {  	[sflag:s17] =	ssyncadd.s32 $0xFFFFC000  }
0xe2: {  	[tilespmem:s14], [sflag:$0x1] =	stream.indirect.gather [hbm4b:s1+s13], $0x80, s29, s13, $0xb8;
	[tilespmem:$0x1C400] =	vst v63  }
0xe3: {  	_ =	swait.ge [sflag:s19], $0x4000  }
0xe4: {  	[sflag:s19] =	ssyncset.done $0x0  }
0xe5: {  	[sflag:s19] =	ssyncadd.s32 $0xFFFFC000  }
0xe6: {  	[spmem:s3] =	stream.indirect.scatter.add.f32 [tilespmem:s15], [sflag:$0x4], $0x80, s30, s13, $0xb8;
	[tilespmem:$0x1C400] =	vst v63  }
0xe7: {  	_ =	swait.ge [sflag:s21], $0x4000  }
0xe8: {  	[sflag:s21] =	ssyncset.done $0x0  }
0xe9: {  	[sflag:s21] =	ssyncadd.s32 $0xFFFFC000  }
0xea: {  	[tilespmem:s15], [sflag:$0x2] =	stream.indirect.gather [hbm4b:s1+s13], $0x80, s31, s13, $0xb8;
	[tilespmem:$0x1C400] =	vst v63  }
0xeb: {  	_ =	swait.ge [sflag:s16], $0x4000  }
0xec: {  	[sflag:s16] =	ssyncset.done $0x0  }
0xed: {  	[sflag:s16] =	ssyncadd.s32 $0xFFFFC000  }
0xee: {  	[spmem:s3] =	stream.indirect.scatter.add.f32 [tilespmem:s14], [sflag:$0x3], $0x80, s2, s13, $0xb8;
	[tilespmem:$0x1C400] =	vst v63  }
0xef: {  	_ =	swait.ge [sflag:s19], $0x4000  }
0xf0: {  	[sflag:s19] =	ssyncset.done $0x0  }
0xf1: {  	[sflag:s19] =	ssyncadd.s32 $0xFFFFC000  }
0xf2: {  	[spmem:s3] =	stream.indirect.scatter.add.f32 [tilespmem:s15], [sflag:$0x4], $0x80, s0, s13, $0xb8;
	[tilespmem:$0x1C400] =	vst v63  }
0xf3: {  	_ =	swait.ge [sflag:s17], $0x4000  }
0xf4: {  	[sflag:s17] =	ssyncset.done $0x0  }
0xf5: {  	[sflag:s17] =	ssyncadd.s32 $0xFFFFC000  }
0xf6: {  	_ =	swait.ge [sflag:s21], $0x4000  }
0xf7: {  	[sflag:s21] =	ssyncset.done $0x0  }
0xf8: {  	[sflag:s21] =	ssyncadd.s32 $0xFFFFC000  }
0xf9: {  	[bflag:$0x0] =	sbarrier.arrive $0xFFFF  }
0xfa: {  	s7 =	rddreg [dreg:$0x6]  }
0xfb: {  	s8 =	rddreg [dreg:$0x7]  }
0xfc: {  	s6 =	rddreg [dreg:$0x9]  }
0xfd: {  	[hbm:s8], [sflag:s7] =	dma.local [spmem:s6], $0x2780  }
0xfe: {  	_ =	swait.ge [sflag:s11], $0x2780  }
0xff: {  	s8 =	rddreg [dreg:$0xa]  }
0x100: {  	s10 =	rddreg [dreg:$0x8];
	s8 =	sadd.s32 $0x1, s8  }
0x101: {  	p0 =	sne.s32 s8, s10  }
.Ltmp1:
0x102: {  	_ = 	snop;
	(pc) =	sbr.rel @p0 .LBB2_1-.Ltmp1, $3  }
0x103: {  	_ =	sdelay $0x1  }
0x104: {  	[sflag:s11] =	ssyncset.done $0x0  }
0x105: {  	[sflag:s11] =	ssyncadd.s32 $0xFFFFD880  }
0x106: {  	_ =	sfence.sel $0x180000  }
0x107: {  	[bflag:$0x0] =	sbarrier.arrive $0xFFFF  }
0x108: {  	_ =	strace $0x90000047  }
0x109: {  	s0 =	stileid.u32;
	[bflag:$0x2] =	sbarrier.arrive $0xFFFF  }
0x10a: {  	p0 =	sne.s32 s0, $0x0;
	s0 =	rddreg [dreg:$0x3]  }
0x10b: {  	s0 =	sadd.s32 @!p0 $0x100000, s0  }
0x10c: {  	[sflag:s0] =	ssyncadd.tile.s32 @!p0 $0x1;
	_ =	shalt  }
.Lfunc_end2:
_tile_overlayer_lowered:
.L_overlay_start_2:
0x10d: {  	(tag) =	ssettag $0x2  }
0x10e: {  	s0 =	rddreg [dreg:$0x0];
	s2 =	stileid.u32  }
0x10f: {  	s1 =	rddreg [dreg:$0x1];
	p0 =	sne.s32 s2, $0x0  }
0x110: {  	s3 =	rddreg [dreg:$0x2];
	[bflag:$0x3] =	sbarrier.arrive $0xFFFF;
	s2 =	simm.s32 @!p0 $0x1C05  }
0x111: {  	[timem:s3], [sflag:s2] =	dma.local @!p0 [hbm:s0], s1  }
0x112: {  	s0 =	simm.s32 @!p0 $0x5  }
0x113: {  	_ =	swait.ge @!p0 [sflag:s0], s1  }
0x114: {  	s1 =	ssub.s32 @!p0 $0x0, s1;
	[sflag:s0] =	ssyncset.done @!p0 $0x0  }
0x115: {  	[sflag:s0] =	ssyncadd.s32 @!p0 s1  }
0x116: {  	[bflag:$0x3] =	sbarrier.arrive $0xFFFF  }
0x117: {  	_ =	shalt  }

</sc_bundles>
